<compile_context>
chip_gen: v7x
topology: tpu7x:2x2x1
jax: 0.10.2.dev20260603
libtpu: 0.0.44.dev20260713+nightly
codegen_flags: <defaults>
</compile_context>

<pallas_src>
import functools

import jax
import jax.numpy as jnp
from jax import lax
from jax.experimental import pallas as pl
from jax.experimental.pallas import tpu as pltpu
from jax.experimental.pallas import tpu_sc as plsc

B = 4096
T = 200
D = 64
VOCAB = 1000000
VPAD = 62 * 16384
NM = 2
NBUF = 4
NPAD = 128


@functools.lru_cache(maxsize=None)
def _build_sc(num_cores: int, num_subcores: int):
    nw = num_cores * num_subcores
    spw = B // nw

    mesh = plsc.VectorSubcoreMesh(core_axis_name="c", subcore_axis_name="s",
                                  num_cores=num_cores,
                                  num_subcores=num_subcores)

    @functools.partial(
        pl.kernel,
        out_type=jax.ShapeDtypeStruct((B * 32,), jnp.float32),
        mesh=mesh,
        compiler_params=pltpu.CompilerParams(
            needs_layout_passes=False, use_tc_tiling_on_sc=False),
        scratch_types=[
            pltpu.VMEM((spw * T,), jnp.int32),
            pltpu.VMEM_SHARED((VPAD,), jnp.float32),
            *[pltpu.VMEM((208,), jnp.float32) for _ in range(NBUF)],
            pltpu.VMEM((spw * 32,), jnp.float32),
            *[pltpu.SemaphoreType.DMA for _ in range(NBUF)],
        ],
    )
    def sc_kernel(ids_hbm, ptab_hbm, out_hbm, ids_v, shared, *rest):
        bufs = rest[:NBUF]
        out_v = rest[NBUF]
        sems = rest[NBUF + 1:]

        sid = lax.axis_index("s")
        wid = sid * num_cores + lax.axis_index("c")
        seq0 = wid * spw

        chunk = VPAD // num_subcores
        r0 = sid * chunk
        pltpu.sync_copy(ptab_hbm.at[pl.ds(r0, chunk)],
                        shared.at[pl.ds(r0, chunk)])

        pltpu.sync_copy(ids_hbm.at[pl.ds(seq0 * T, spw * T)], ids_v)

        zeros = jnp.zeros((16,), jnp.float32)
        for p in range(NBUF):
            bufs[p][pl.ds(192, 16)] = zeros
        plsc.subcore_barrier()

        def issue(s, buf, sem):
            pltpu.async_copy(shared.at[ids_v.at[pl.ds(s * T, T)]],
                             buf.at[pl.ds(0, T)], sem)

        def wait(buf, sem):
            pltpu.make_async_copy(shared.at[ids_v.at[pl.ds(0, T)]],
                                  buf.at[pl.ds(0, T)], sem).wait()

        def process(s, buf):
            def acc_body(k, carry):
                a0, a1 = carry
                w = buf[pl.ds(k * 16, 16)]
                lo, hi = plsc.unpack(plsc.bitcast(w, jnp.bfloat16),
                                     format=plsc.PackFormat.INTERLEAVED)
                return (a0 + lo, a1 + hi)

            a0, a1 = lax.fori_loop(0, 13, acc_body, (zeros, zeros),
                                   unroll=13)
            out_v[pl.ds(s * 32, 16)] = a0
            out_v[pl.ds(s * 32 + 16, 16)] = a1

        for p in range(NBUF):
            issue(p, bufs[p], sems[p])

        def outer(i, c):
            s0 = i * NBUF
            for p in range(NBUF):
                s = s0 + p
                wait(bufs[p], sems[p])
                process(s, bufs[p])

                @pl.when(s + NBUF < spw)
                def _():
                    issue(s + NBUF, bufs[p], sems[p])
            return c

        lax.fori_loop(0, spw // NBUF, outer, 0)
        pltpu.sync_copy(out_v, out_hbm.at[pl.ds(seq0 * 32, spw * 32)])

    return sc_kernel


def _tc_project(emb, wt2T):
    def proj_kernel(x_ref, w_ref, o_ref):
        o_ref[...] = lax.dot_general(
            w_ref[...], x_ref[...],
            (((1,), (1,)), ((), ())),
            preferred_element_type=jnp.float32)

    bm = 16384
    grid = VPAD // bm
    return pl.pallas_call(
        proj_kernel,
        out_shape=jax.ShapeDtypeStruct((NM, VPAD), jnp.float32),
        grid=(grid,),
        in_specs=[
            pl.BlockSpec((bm, D), lambda i: (i, 0)),
            pl.BlockSpec((NM, D), lambda i: (0, 0)),
        ],
        out_specs=pl.BlockSpec((NM, bm), lambda i: (0, i)),
    )(emb, wt2T)


def _tc_fold(acc32, fold, bp):
    def fold_kernel(x_ref, f_ref, b_ref, o_ref):
        o_ref[...] = (
            jnp.dot(x_ref[...], f_ref[...],
                    preferred_element_type=jnp.float32) + b_ref[...])

    grid = 8
    bb = B // grid
    return pl.pallas_call(
        fold_kernel,
        out_shape=jax.ShapeDtypeStruct((B, NPAD), jnp.float32),
        grid=(grid,),
        in_specs=[
            pl.BlockSpec((bb, 32), lambda i: (i, 0)),
            pl.BlockSpec((32, NPAD), lambda i: (0, 0)),
            pl.BlockSpec((1, NPAD), lambda i: (0, 0)),
        ],
        out_specs=pl.BlockSpec((bb, NPAD), lambda i: (i, 0)),
    )(acc32, fold, bp)


def kernel(input_ids, embedding, W, b):
    info = plsc.get_sparse_core_info()
    sc_kernel = _build_sc(info.num_cores, info.num_subcores)

    p32 = _tc_project(embedding, (W * (1.0 / T)).T)
    lo = lax.bitcast_convert_type(p32[0].astype(jnp.bfloat16),
                                  jnp.uint16).astype(jnp.uint32)
    hi = lax.bitcast_convert_type(p32[1].astype(jnp.bfloat16),
                                  jnp.uint16).astype(jnp.uint32)
    ptab = lax.bitcast_convert_type(lo | (hi << 16), jnp.float32)

    ids_flat = input_ids.reshape(-1).astype(jnp.int32)
    acc32 = sc_kernel(ids_flat, ptab).reshape(B, 32)

    lane = jnp.arange(32) // 16
    fold = (lane[:, None] == jnp.arange(NPAD)[None, :]).astype(jnp.float32)
    bp = jnp.pad(b, (0, NPAD - NM)).reshape(1, NPAD)
    return _tc_fold(acc32, fold, bp)[:, :NM]

# --- scband reference (transcript-rebuilt; emitter-appended) ---
"""Pipeline reference for scband-linear-router-65687229825651 (READ-ONLY COPY).

The authoritative reference and input builder live on the scoring server;
editing this copy changes nothing except your own understanding.
"""

import jax, jax.numpy as jnp
import numpy as np

VOCAB = 1000000
D_MODEL = 64
N_MODELS = 2
B = 4096
T = 200

def setup_inputs(seed: int = 0) -> dict:
    key = jax.random.key(seed)
    k1, k2, k3, k4 = jax.random.split(key, 4)
    input_ids = jax.random.randint(k1, (B, T), 0, VOCAB, dtype=jnp.int64 if jax.config.jax_enable_x64 else jnp.int32)
    embedding = jax.random.normal(k2, (VOCAB, D_MODEL), dtype=jnp.float32)
    W = jax.random.normal(k3, (D_MODEL, N_MODELS), dtype=jnp.float32) * (1.0 / np.sqrt(D_MODEL))
    b = jax.random.normal(k4, (N_MODELS,), dtype=jnp.float32) * 0.01
    return {"input_ids": input_ids, "embedding": embedding, "W": W, "b": b}

def reference(input_ids, embedding, W, b):
    # emb: (B, T, D) gather from embedding table
    emb = jnp.take(embedding, input_ids, axis=0)
    pooled = jnp.mean(emb, axis=1)          # (B, D)
    logits = pooled @ W + b                  # (B, n_models)
    return logits

if __name__ == "__main__":
    import jax
    _d = setup_inputs()
    print(jax.jit(kernel)(*tuple(_d.values())))

</pallas_src>

<mosaic_0001>
#map = affine_map<(d0, d1) -> (0)>
module attributes {stable_mosaic.version = 14 : i64} {
  func.func @sc_kernel(%arg0: i32, %arg1: i32, %arg2: memref<819200xi32, #tpu.memory_space<hbm>>, %arg3: memref<1015808xf32, #tpu.memory_space<hbm>>, %arg4: memref<131072xf32, #tpu.memory_space<hbm>>, %arg5: memref<25600xi32, #tpu.memory_space<vmem>>, %arg6: memref<1015808xf32, #tpu.memory_space<vmem_shared>>, %arg7: memref<208xf32, #tpu.memory_space<vmem>>, %arg8: memref<208xf32, #tpu.memory_space<vmem>>, %arg9: memref<208xf32, #tpu.memory_space<vmem>>, %arg10: memref<208xf32, #tpu.memory_space<vmem>>, %arg11: memref<4096xf32, #tpu.memory_space<vmem>>, %arg12: memref<!tpu.dma_semaphore, #tpu.memory_space<semaphore_mem>>, %arg13: memref<!tpu.dma_semaphore, #tpu.memory_space<semaphore_mem>>, %arg14: memref<!tpu.dma_semaphore, #tpu.memory_space<semaphore_mem>>, %arg15: memref<!tpu.dma_semaphore, #tpu.memory_space<semaphore_mem>>) attributes {dimension_semantics = [#tpu.dimension_semantics<core_parallel>, #tpu.dimension_semantics<subcore_parallel>], iteration_bounds = array<i64: 2, 16>, scalar_prefetch = 0 : i64, scratch_operands = 11 : i64, tpu.core_type = #tpu.core_type<sc_vector_subcore>, window_params = [{transform_indices = #map}, {transform_indices = #map}, {transform_indices = #map}]} {
    %mul3A = arith.constant 2 : i32
    %mul3A_0 = arith.muli %arg1, %mul3A : i32
    %add3A = arith.addi %mul3A_0, %arg0 : i32
    %mul3A_1 = arith.constant 128 : i32
    %mul3A_2 = arith.muli %add3A, %mul3A_1 : i32
    %mul3A_3 = arith.constant 63488 : i32
    %mul3A_4 = arith.muli %arg1, %mul3A_3 : i32
    "tpu.region"() ({
      %run_scoped3A = tpu.sem_alloc : memref<!tpu.dma_semaphore, #tpu.memory_space<semaphore_mem>>
      %dma_start3A_45 = tpu.memref_slice %arg6[%mul3A_4] : memref<1015808xf32, #tpu.memory_space<vmem_shared>> -> memref<63488xf32, #tpu.memory_space<vmem_shared>>
      %dma_start3A_46 = tpu.memref_slice %arg3[%mul3A_4] : memref<1015808xf32, #tpu.memory_space<hbm>> -> memref<63488xf32, #tpu.memory_space<hbm>>
      tpu.enqueue_dma source(%dma_start3A_46 : memref<63488xf32, #tpu.memory_space<hbm>>) target(%dma_start3A_45 : memref<63488xf32, #tpu.memory_space<vmem_shared>>) target_semaphore(%run_scoped3A : memref<!tpu.dma_semaphore, #tpu.memory_space<semaphore_mem>>)
      %dma_wait3A = tpu.memref_slice %arg6[%mul3A_4] : memref<1015808xf32, #tpu.memory_space<vmem_shared>> -> memref<63488xf32, #tpu.memory_space<vmem_shared>>
      %dma_wait3A_47 = tpu.memref_slice %arg3[%mul3A_4] : memref<1015808xf32, #tpu.memory_space<hbm>> -> memref<63488xf32, #tpu.memory_space<hbm>>
      tpu.wait_dma2 semaphore(%run_scoped3A : memref<!tpu.dma_semaphore, #tpu.memory_space<semaphore_mem>>) src(%dma_wait3A_47 : memref<63488xf32, #tpu.memory_space<hbm>>) dst(%dma_wait3A : memref<63488xf32, #tpu.memory_space<vmem_shared>>)
      tpu.yield
    }) : () -> ()
    %mul3A_5 = arith.constant 200 : i32
    %mul3A_6 = arith.muli %mul3A_2, %mul3A_5 : i32
    "tpu.region"() ({
      %run_scoped3A = tpu.sem_alloc : memref<!tpu.dma_semaphore, #tpu.memory_space<semaphore_mem>>
      %dma_start3A_45 = tpu.memref_slice %arg2[%mul3A_6] : memref<819200xi32, #tpu.memory_space<hbm>> -> memref<25600xi32, #tpu.memory_space<hbm>>
      %dma_start3A_46 = tpu.memref_slice %arg2[%mul3A_6] : memref<819200xi32, #tpu.memory_space<hbm>> -> memref<25600xi32, #tpu.memory_space<hbm>>
      tpu.enqueue_dma source(%dma_start3A_46 : memref<25600xi32, #tpu.memory_space<hbm>>) target(%arg5 : memref<25600xi32, #tpu.memory_space<vmem>>) target_semaphore(%run_scoped3A : memref<!tpu.dma_semaphore, #tpu.memory_space<semaphore_mem>>)
      %dma_wait3A = tpu.memref_slice %arg2[%mul3A_6] : memref<819200xi32, #tpu.memory_space<hbm>> -> memref<25600xi32, #tpu.memory_space<hbm>>
      %dma_wait3A_47 = tpu.memref_slice %arg2[%mul3A_6] : memref<819200xi32, #tpu.memory_space<hbm>> -> memref<25600xi32, #tpu.memory_space<hbm>>
      tpu.wait_dma2 semaphore(%run_scoped3A : memref<!tpu.dma_semaphore, #tpu.memory_space<semaphore_mem>>) src(%dma_wait3A_47 : memref<25600xi32, #tpu.memory_space<hbm>>) dst(%arg5 : memref<25600xi32, #tpu.memory_space<vmem>>)
      tpu.yield
    }) : () -> ()
    %broadcast_in_dim3A = arith.constant 0.000000e+00 : f32
    %broadcast_in_dim3A_7 = vector.broadcast %broadcast_in_dim3A : f32 to vector<16xf32>
    %swap3A = arith.constant 192 : index
    %swap3A_8 = tpu.vector_load %arg7[%swap3A] {strides = array<i32>} : memref<208xf32, #tpu.memory_space<vmem>>, vector<16xf32>,
    tpu.vector_store %arg7[%swap3A], %broadcast_in_dim3A_7 {strides = array<i32>} : memref<208xf32, #tpu.memory_space<vmem>>, vector<16xf32>,
    %swap3A_9 = arith.constant 192 : index
    %swap3A_10 = tpu.vector_load %arg8[%swap3A_9] {strides = array<i32>} : memref<208xf32, #tpu.memory_space<vmem>>, vector<16xf32>,
    tpu.vector_store %arg8[%swap3A_9], %broadcast_in_dim3A_7 {strides = array<i32>} : memref<208xf32, #tpu.memory_space<vmem>>, vector<16xf32>,
    %swap3A_11 = arith.constant 192 : index
    %swap3A_12 = tpu.vector_load %arg9[%swap3A_11] {strides = array<i32>} : memref<208xf32, #tpu.memory_space<vmem>>, vector<16xf32>,
    tpu.vector_store %arg9[%swap3A_11], %broadcast_in_dim3A_7 {strides = array<i32>} : memref<208xf32, #tpu.memory_space<vmem>>, vector<16xf32>,
    %swap3A_13 = arith.constant 192 : index
    %swap3A_14 = tpu.vector_load %arg10[%swap3A_13] {strides = array<i32>} : memref<208xf32, #tpu.memory_space<vmem>>, vector<16xf32>,
    tpu.vector_store %arg10[%swap3A_13], %broadcast_in_dim3A_7 {strides = array<i32>} : memref<208xf32, #tpu.memory_space<vmem>>, vector<16xf32>,
    %barrier3A = arith.constant 0 : index
    tpu.barrier barrier_id(%barrier3A)
    %dma_start3A = arith.constant 0 : i32
    %dma_start3A_15 = tpu.memref_slice %arg7[%dma_start3A] : memref<208xf32, #tpu.memory_space<vmem>> -> memref<200xf32, #tpu.memory_space<vmem>>
    %dma_start3A_16 = arith.constant 0 : i32
    %dma_start3A_17 = tpu.memref_slice %arg5[%dma_start3A_16] : memref<25600xi32, #tpu.memory_space<vmem>> -> memref<200xi32, #tpu.memory_space<vmem>>
    %dma_start3A_18 = arith.constant 0 : i32
    %dma_start3A_19 = tpu.memref_slice %arg6[%dma_start3A_18] : memref<1015808xf32, #tpu.memory_space<vmem_shared>> -> memref<1015808xf32, #tpu.memory_space<vmem_shared>>
    tpu.enqueue_indirect_dma source(%dma_start3A_19 : memref<1015808xf32, #tpu.memory_space<vmem_shared>>) target(%dma_start3A_15 : memref<200xf32, #tpu.memory_space<vmem>>) offsets(%dma_start3A_17 : memref<200xi32, #tpu.memory_space<vmem>>) semaphore(%arg12 : memref<!tpu.dma_semaphore, #tpu.memory_space<semaphore_mem>>)
    %dma_start3A_20 = arith.constant 0 : i32
    %dma_start3A_21 = tpu.memref_slice %arg8[%dma_start3A_20] : memref<208xf32, #tpu.memory_space<vmem>> -> memref<200xf32, #tpu.memory_space<vmem>>
    %dma_start3A_22 = arith.constant 200 : i32
    %dma_start3A_23 = tpu.memref_slice %arg5[%dma_start3A_22] : memref<25600xi32, #tpu.memory_space<vmem>> -> memref<200xi32, #tpu.memory_space<vmem>>
    %dma_start3A_24 = arith.constant 0 : i32
    %dma_start3A_25 = tpu.memref_slice %arg6[%dma_start3A_24] : memref<1015808xf32, #tpu.memory_space<vmem_shared>> -> memref<1015808xf32, #tpu.memory_space<vmem_shared>>
    tpu.enqueue_indirect_dma source(%dma_start3A_25 : memref<1015808xf32, #tpu.memory_space<vmem_shared>>) target(%dma_start3A_21 : memref<200xf32, #tpu.memory_space<vmem>>) offsets(%dma_start3A_23 : memref<200xi32, #tpu.memory_space<vmem>>) semaphore(%arg13 : memref<!tpu.dma_semaphore, #tpu.memory_space<semaphore_mem>>)
    %dma_start3A_26 = arith.constant 0 : i32
    %dma_start3A_27 = tpu.memref_slice %arg9[%dma_start3A_26] : memref<208xf32, #tpu.memory_space<vmem>> -> memref<200xf32, #tpu.memory_space<vmem>>
    %dma_start3A_28 = arith.constant 400 : i32
    %dma_start3A_29 = tpu.memref_slice %arg5[%dma_start3A_28] : memref<25600xi32, #tpu.memory_space<vmem>> -> memref<200xi32, #tpu.memory_space<vmem>>
    %dma_start3A_30 = arith.constant 0 : i32
    %dma_start3A_31 = tpu.memref_slice %arg6[%dma_start3A_30] : memref<1015808xf32, #tpu.memory_space<vmem_shared>> -> memref<1015808xf32, #tpu.memory_space<vmem_shared>>
    tpu.enqueue_indirect_dma source(%dma_start3A_31 : memref<1015808xf32, #tpu.memory_space<vmem_shared>>) target(%dma_start3A_27 : memref<200xf32, #tpu.memory_space<vmem>>) offsets(%dma_start3A_29 : memref<200xi32, #tpu.memory_space<vmem>>) semaphore(%arg14 : memref<!tpu.dma_semaphore, #tpu.memory_space<semaphore_mem>>)
    %dma_start3A_32 = arith.constant 0 : i32
    %dma_start3A_33 = tpu.memref_slice %arg10[%dma_start3A_32] : memref<208xf32, #tpu.memory_space<vmem>> -> memref<200xf32, #tpu.memory_space<vmem>>
    %dma_start3A_34 = arith.constant 600 : i32
    %dma_start3A_35 = tpu.memref_slice %arg5[%dma_start3A_34] : memref<25600xi32, #tpu.memory_space<vmem>> -> memref<200xi32, #tpu.memory_space<vmem>>
    %dma_start3A_36 = arith.constant 0 : i32
    %dma_start3A_37 = tpu.memref_slice %arg6[%dma_start3A_36] : memref<1015808xf32, #tpu.memory_space<vmem_shared>> -> memref<1015808xf32, #tpu.memory_space<vmem_shared>>
    tpu.enqueue_indirect_dma source(%dma_start3A_37 : memref<1015808xf32, #tpu.memory_space<vmem_shared>>) target(%dma_start3A_33 : memref<200xf32, #tpu.memory_space<vmem>>) offsets(%dma_start3A_35 : memref<200xi32, #tpu.memory_space<vmem>>) semaphore(%arg15 : memref<!tpu.dma_semaphore, #tpu.memory_space<semaphore_mem>>)
    %scan3A = arith.constant 0 : i32
    %scan3A_38 = arith.constant 0 : i32
    %scan3A_39 = arith.constant 32 : i32
    %scan3A_40 = arith.addi %scan3A_38, %scan3A_39 : i32
    %scan3A_41 = arith.constant 1 : i32
    scf.for %scan3A_45 = %scan3A_38 to %scan3A_40 step %scan3A_41  : i32 {
      %mul3A_46 = arith.constant 4 : i32
      %mul3A_47 = arith.muli %scan3A_45, %mul3A_46 : i32
      %add3A_48 = arith.constant 0 : i32
      %add3A_49 = arith.addi %mul3A_47, %add3A_48 : i32
      %dma_wait3A = arith.constant 0 : i32
      %dma_wait3A_50 = tpu.memref_slice %arg7[%dma_wait3A] : memref<208xf32, #tpu.memory_space<vmem>> -> memref<200xf32, #tpu.memory_space<vmem>>
      %dma_wait3A_51 = arith.constant 0 : i32
      %dma_wait3A_52 = tpu.memref_slice %arg5[%dma_wait3A_51] : memref<25600xi32, #tpu.memory_space<vmem>> -> memref<200xi32, #tpu.memory_space<vmem>>
      %dma_wait3A_53 = arith.constant 0 : i32
      %dma_wait3A_54 = tpu.memref_slice %arg6[%dma_wait3A_53] : memref<1015808xf32, #tpu.memory_space<vmem_shared>> -> memref<1015808xf32, #tpu.memory_space<vmem_shared>>
      tpu.wait_indirect_dma semaphore(%arg12 : memref<!tpu.dma_semaphore, #tpu.memory_space<semaphore_mem>>) src(%dma_wait3A_54 : memref<1015808xf32, #tpu.memory_space<vmem_shared>>) dst(%dma_wait3A_50 : memref<200xf32, #tpu.memory_space<vmem>>)
      %scan3A_55 = arith.constant 0 : i32
      %mul3A_56 = arith.constant 16 : i32
      %mul3A_57 = arith.muli %scan3A_55, %mul3A_56 : i32
      %get3A = arith.index_cast %mul3A_57 : i32 to index
      %get3A_58 = tpu.vector_load %arg7[%get3A] {strides = array<i32>} : memref<208xf32, #tpu.memory_space<vmem>>, vector<16xf32>,
      %bitcast3A = vector.bitcast %get3A_58 : vector<16xf32> to vector<32xbf16>
      %unpack3A = tpu.unpack_subelements %bitcast3A, 0 {pack_format = #tpu.pack_format<interleaved>} : vector<32xbf16> -> vector<16xf32>
      %unpack3A_59 = tpu.unpack_subelements %bitcast3A, 1 {pack_format = #tpu.pack_format<interleaved>} : vector<32xbf16> -> vector<16xf32>
      %add3A_60 = arith.addf %broadcast_in_dim3A_7, %unpack3A : vector<16xf32>
      %add3A_61 = arith.addf %broadcast_in_dim3A_7, %unpack3A_59 : vector<16xf32>
      %scan3A_62 = arith.constant 1 : i32
      %mul3A_63 = arith.constant 16 : i32
      %mul3A_64 = arith.muli %scan3A_62, %mul3A_63 : i32
      %get3A_65 = arith.index_cast %mul3A_64 : i32 to index
      %get3A_66 = tpu.vector_load %arg7[%get3A_65] {strides = array<i32>} : memref<208xf32, #tpu.memory_space<vmem>>, vector<16xf32>,
      %bitcast3A_67 = vector.bitcast %get3A_66 : vector<16xf32> to vector<32xbf16>
      %unpack3A_68 = tpu.unpack_subelements %bitcast3A_67, 0 {pack_format = #tpu.pack_format<interleaved>} : vector<32xbf16> -> vector<16xf32>
      %unpack3A_69 = tpu.unpack_subelements %bitcast3A_67, 1 {pack_format = #tpu.pack_format<interleaved>} : vector<32xbf16> -> vector<16xf32>
      %add3A_70 = arith.addf %add3A_60, %unpack3A_68 : vector<16xf32>
      %add3A_71 = arith.addf %add3A_61, %unpack3A_69 : vector<16xf32>
      %scan3A_72 = arith.constant 2 : i32
      %mul3A_73 = arith.constant 16 : i32
      %mul3A_74 = arith.muli %scan3A_72, %mul3A_73 : i32
      %get3A_75 = arith.index_cast %mul3A_74 : i32 to index
      %get3A_76 = tpu.vector_load %arg7[%get3A_75] {strides = array<i32>} : memref<208xf32, #tpu.memory_space<vmem>>, vector<16xf32>,
      %bitcast3A_77 = vector.bitcast %get3A_76 : vector<16xf32> to vector<32xbf16>
      %unpack3A_78 = tpu.unpack_subelements %bitcast3A_77, 0 {pack_format = #tpu.pack_format<interleaved>} : vector<32xbf16> -> vector<16xf32>
      %unpack3A_79 = tpu.unpack_subelements %bitcast3A_77, 1 {pack_format = #tpu.pack_format<interleaved>} : vector<32xbf16> -> vector<16xf32>
      %add3A_80 = arith.addf %add3A_70, %unpack3A_78 : vector<16xf32>
      %add3A_81 = arith.addf %add3A_71, %unpack3A_79 : vector<16xf32>
      %scan3A_82 = arith.constant 3 : i32
      %mul3A_83 = arith.constant 16 : i32
      %mul3A_84 = arith.muli %scan3A_82, %mul3A_83 : i32
      %get3A_85 = arith.index_cast %mul3A_84 : i32 to index
      %get3A_86 = tpu.vector_load %arg7[%get3A_85] {strides = array<i32>} : memref<208xf32, #tpu.memory_space<vmem>>, vector<16xf32>,
      %bitcast3A_87 = vector.bitcast %get3A_86 : vector<16xf32> to vector<32xbf16>
      %unpack3A_88 = tpu.unpack_subelements %bitcast3A_87, 0 {pack_format = #tpu.pack_format<interleaved>} : vector<32xbf16> -> vector<16xf32>
      %unpack3A_89 = tpu.unpack_subelements %bitcast3A_87, 1 {pack_format = #tpu.pack_format<interleaved>} : vector<32xbf16> -> vector<16xf32>
      %add3A_90 = arith.addf %add3A_80, %unpack3A_88 : vector<16xf32>
      %add3A_91 = arith.addf %add3A_81, %unpack3A_89 : vector<16xf32>
      %scan3A_92 = arith.constant 4 : i32
      %mul3A_93 = arith.constant 16 : i32
      %mul3A_94 = arith.muli %scan3A_92, %mul3A_93 : i32
      %get3A_95 = arith.index_cast %mul3A_94 : i32 to index
      %get3A_96 = tpu.vector_load %arg7[%get3A_95] {strides = array<i32>} : memref<208xf32, #tpu.memory_space<vmem>>, vector<16xf32>,
      %bitcast3A_97 = vector.bitcast %get3A_96 : vector<16xf32> to vector<32xbf16>
      %unpack3A_98 = tpu.unpack_subelements %bitcast3A_97, 0 {pack_format = #tpu.pack_format<interleaved>} : vector<32xbf16> -> vector<16xf32>
      %unpack3A_99 = tpu.unpack_subelements %bitcast3A_97, 1 {pack_format = #tpu.pack_format<interleaved>} : vector<32xbf16> -> vector<16xf32>
      %add3A_100 = arith.addf %add3A_90, %unpack3A_98 : vector<16xf32>
      %add3A_101 = arith.addf %add3A_91, %unpack3A_99 : vector<16xf32>
      %scan3A_102 = arith.constant 5 : i32
      %mul3A_103 = arith.constant 16 : i32
      %mul3A_104 = arith.muli %scan3A_102, %mul3A_103 : i32
      %get3A_105 = arith.index_cast %mul3A_104 : i32 to index
      %get3A_106 = tpu.vector_load %arg7[%get3A_105] {strides = array<i32>} : memref<208xf32, #tpu.memory_space<vmem>>, vector<16xf32>,
      %bitcast3A_107 = vector.bitcast %get3A_106 : vector<16xf32> to vector<32xbf16>
      %unpack3A_108 = tpu.unpack_subelements %bitcast3A_107, 0 {pack_format = #tpu.pack_format<interleaved>} : vector<32xbf16> -> vector<16xf32>
      %unpack3A_109 = tpu.unpack_subelements %bitcast3A_107, 1 {pack_format = #tpu.pack_format<interleaved>} : vector<32xbf16> -> vector<16xf32>
      %add3A_110 = arith.addf %add3A_100, %unpack3A_108 : vector<16xf32>
      %add3A_111 = arith.addf %add3A_101, %unpack3A_109 : vector<16xf32>
      %scan3A_112 = arith.constant 6 : i32
      %mul3A_113 = arith.constant 16 : i32
      %mul3A_114 = arith.muli %scan3A_112, %mul3A_113 : i32
      %get3A_115 = arith.index_cast %mul3A_114 : i32 to index
      %get3A_116 = tpu.vector_load %arg7[%get3A_115] {strides = array<i32>} : memref<208xf32, #tpu.memory_space<vmem>>, vector<16xf32>,
      %bitcast3A_117 = vector.bitcast %get3A_116 : vector<16xf32> to vector<32xbf16>
      %unpack3A_118 = tpu.unpack_subelements %bitcast3A_117, 0 {pack_format = #tpu.pack_format<interleaved>} : vector<32xbf16> -> vector<16xf32>
      %unpack3A_119 = tpu.unpack_subelements %bitcast3A_117, 1 {pack_format = #tpu.pack_format<interleaved>} : vector<32xbf16> -> vector<16xf32>
      %add3A_120 = arith.addf %add3A_110, %unpack3A_118 : vector<16xf32>
      %add3A_121 = arith.addf %add3A_111, %unpack3A_119 : vector<16xf32>
      %scan3A_122 = arith.constant 7 : i32
      %mul3A_123 = arith.constant 16 : i32
      %mul3A_124 = arith.muli %scan3A_122, %mul3A_123 : i32
      %get3A_125 = arith.index_cast %mul3A_124 : i32 to index
      %get3A_126 = tpu.vector_load %arg7[%get3A_125] {strides = array<i32>} : memref<208xf32, #tpu.memory_space<vmem>>, vector<16xf32>,
      %bitcast3A_127 = vector.bitcast %get3A_126 : vector<16xf32> to vector<32xbf16>
      %unpack3A_128 = tpu.unpack_subelements %bitcast3A_127, 0 {pack_format = #tpu.pack_format<interleaved>} : vector<32xbf16> -> vector<16xf32>
      %unpack3A_129 = tpu.unpack_subelements %bitcast3A_127, 1 {pack_format = #tpu.pack_format<interleaved>} : vector<32xbf16> -> vector<16xf32>
      %add3A_130 = arith.addf %add3A_120, %unpack3A_128 : vector<16xf32>
      %add3A_131 = arith.addf %add3A_121, %unpack3A_129 : vector<16xf32>
      %scan3A_132 = arith.constant 8 : i32
      %mul3A_133 = arith.constant 16 : i32
      %mul3A_134 = arith.muli %scan3A_132, %mul3A_133 : i32
      %get3A_135 = arith.index_cast %mul3A_134 : i32 to index
      %get3A_136 = tpu.vector_load %arg7[%get3A_135] {strides = array<i32>} : memref<208xf32, #tpu.memory_space<vmem>>, vector<16xf32>,
      %bitcast3A_137 = vector.bitcast %get3A_136 : vector<16xf32> to vector<32xbf16>
      %unpack3A_138 = tpu.unpack_subelements %bitcast3A_137, 0 {pack_format = #tpu.pack_format<interleaved>} : vector<32xbf16> -> vector<16xf32>
      %unpack3A_139 = tpu.unpack_subelements %bitcast3A_137, 1 {pack_format = #tpu.pack_format<interleaved>} : vector<32xbf16> -> vector<16xf32>
      %add3A_140 = arith.addf %add3A_130, %unpack3A_138 : vector<16xf32>
      %add3A_141 = arith.addf %add3A_131, %unpack3A_139 : vector<16xf32>
      %scan3A_142 = arith.constant 9 : i32
      %mul3A_143 = arith.constant 16 : i32
      %mul3A_144 = arith.muli %scan3A_142, %mul3A_143 : i32
      %get3A_145 = arith.index_cast %mul3A_144 : i32 to index
      %get3A_146 = tpu.vector_load %arg7[%get3A_145] {strides = array<i32>} : memref<208xf32, #tpu.memory_space<vmem>>, vector<16xf32>,
      %bitcast3A_147 = vector.bitcast %get3A_146 : vector<16xf32> to vector<32xbf16>
      %unpack3A_148 = tpu.unpack_subelements %bitcast3A_147, 0 {pack_format = #tpu.pack_format<interleaved>} : vector<32xbf16> -> vector<16xf32>
      %unpack3A_149 = tpu.unpack_subelements %bitcast3A_147, 1 {pack_format = #tpu.pack_format<interleaved>} : vector<32xbf16> -> vector<16xf32>
      %add3A_150 = arith.addf %add3A_140, %unpack3A_148 : vector<16xf32>
      %add3A_151 = arith.addf %add3A_141, %unpack3A_149 : vector<16xf32>
      %scan3A_152 = arith.constant 10 : i32
      %mul3A_153 = arith.constant 16 : i32
      %mul3A_154 = arith.muli %scan3A_152, %mul3A_153 : i32
      %get3A_155 = arith.index_cast %mul3A_154 : i32 to index
      %get3A_156 = tpu.vector_load %arg7[%get3A_155] {strides = array<i32>} : memref<208xf32, #tpu.memory_space<vmem>>, vector<16xf32>,
      %bitcast3A_157 = vector.bitcast %get3A_156 : vector<16xf32> to vector<32xbf16>
      %unpack3A_158 = tpu.unpack_subelements %bitcast3A_157, 0 {pack_format = #tpu.pack_format<interleaved>} : vector<32xbf16> -> vector<16xf32>
      %unpack3A_159 = tpu.unpack_subelements %bitcast3A_157, 1 {pack_format = #tpu.pack_format<interleaved>} : vector<32xbf16> -> vector<16xf32>
      %add3A_160 = arith.addf %add3A_150, %unpack3A_158 : vector<16xf32>
      %add3A_161 = arith.addf %add3A_151, %unpack3A_159 : vector<16xf32>
      %scan3A_162 = arith.constant 11 : i32
      %mul3A_163 = arith.constant 16 : i32
      %mul3A_164 = arith.muli %scan3A_162, %mul3A_163 : i32
      %get3A_165 = arith.index_cast %mul3A_164 : i32 to index
      %get3A_166 = tpu.vector_load %arg7[%get3A_165] {strides = array<i32>} : memref<208xf32, #tpu.memory_space<vmem>>, vector<16xf32>,
      %bitcast3A_167 = vector.bitcast %get3A_166 : vector<16xf32> to vector<32xbf16>
      %unpack3A_168 = tpu.unpack_subelements %bitcast3A_167, 0 {pack_format = #tpu.pack_format<interleaved>} : vector<32xbf16> -> vector<16xf32>
      %unpack3A_169 = tpu.unpack_subelements %bitcast3A_167, 1 {pack_format = #tpu.pack_format<interleaved>} : vector<32xbf16> -> vector<16xf32>
      %add3A_170 = arith.addf %add3A_160, %unpack3A_168 : vector<16xf32>
      %add3A_171 = arith.addf %add3A_161, %unpack3A_169 : vector<16xf32>
      %scan3A_172 = arith.constant 12 : i32
      %mul3A_173 = arith.constant 16 : i32
      %mul3A_174 = arith.muli %scan3A_172, %mul3A_173 : i32
      %get3A_175 = arith.index_cast %mul3A_174 : i32 to index
      %get3A_176 = tpu.vector_load %arg7[%get3A_175] {strides = array<i32>} : memref<208xf32, #tpu.memory_space<vmem>>, vector<16xf32>,
      %bitcast3A_177 = vector.bitcast %get3A_176 : vector<16xf32> to vector<32xbf16>
      %unpack3A_178 = tpu.unpack_subelements %bitcast3A_177, 0 {pack_format = #tpu.pack_format<interleaved>} : vector<32xbf16> -> vector<16xf32>
      %unpack3A_179 = tpu.unpack_subelements %bitcast3A_177, 1 {pack_format = #tpu.pack_format<interleaved>} : vector<32xbf16> -> vector<16xf32>
      %add3A_180 = arith.addf %add3A_170, %unpack3A_178 : vector<16xf32>
      %add3A_181 = arith.addf %add3A_171, %unpack3A_179 : vector<16xf32>
      %scan3A_182 = arith.constant 13 : i32
      %mul3A_183 = arith.constant 32 : i32
      %mul3A_184 = arith.muli %add3A_49, %mul3A_183 : i32
      %swap3A_185 = arith.index_cast %mul3A_184 : i32 to index
      %swap3A_186 = tpu.vector_load %arg11[%swap3A_185] {strides = array<i32>} : memref<4096xf32, #tpu.memory_space<vmem>>, vector<16xf32>,
      tpu.vector_store %arg11[%swap3A_185], %add3A_180 {strides = array<i32>} : memref<4096xf32, #tpu.memory_space<vmem>>, vector<16xf32>,
      %mul3A_187 = arith.constant 32 : i32
      %mul3A_188 = arith.muli %add3A_49, %mul3A_187 : i32
      %add3A_189 = arith.constant 16 : i32
      %add3A_190 = arith.addi %mul3A_188, %add3A_189 : i32
      %swap3A_191 = arith.index_cast %add3A_190 : i32 to index
      %swap3A_192 = tpu.vector_load %arg11[%swap3A_191] {strides = array<i32>} : memref<4096xf32, #tpu.memory_space<vmem>>, vector<16xf32>,
      tpu.vector_store %arg11[%swap3A_191], %add3A_181 {strides = array<i32>} : memref<4096xf32, #tpu.memory_space<vmem>>, vector<16xf32>,
      %add3A_193 = arith.constant 4 : i32
      %add3A_194 = arith.addi %add3A_49, %add3A_193 : i32
      %lt3A = arith.constant 128 : i32
      %lt3A_195 = arith.cmpi slt, %add3A_194, %lt3A : i32
      %convert_element_type3A = arith.extui %lt3A_195 : i1 to i32
      %cond3A = arith.constant 0 : i32
      %cond3A_196 = arith.cmpi ne, %convert_element_type3A, %cond3A : i32
      scf.if %cond3A_196 {
        %add3A_665 = arith.constant 4 : i32
        %add3A_666 = arith.addi %add3A_49, %add3A_665 : i32
        %mul3A_667 = arith.constant 200 : i32
        %mul3A_668 = arith.muli %add3A_666, %mul3A_667 : i32
        %dma_start3A_669 = arith.constant 0 : i32
        %dma_start3A_670 = tpu.memref_slice %arg7[%dma_start3A_669] : memref<208xf32, #tpu.memory_space<vmem>> -> memref<200xf32, #tpu.memory_space<vmem>>
        %dma_start3A_671 = tpu.memref_slice %arg5[%mul3A_668] : memref<25600xi32, #tpu.memory_space<vmem>> -> memref<200xi32, #tpu.memory_space<vmem>>
        %dma_start3A_672 = arith.constant 0 : i32
        %dma_start3A_673 = tpu.memref_slice %arg6[%dma_start3A_672] : memref<1015808xf32, #tpu.memory_space<vmem_shared>> -> memref<1015808xf32, #tpu.memory_space<vmem_shared>>
        tpu.enqueue_indirect_dma source(%dma_start3A_673 : memref<1015808xf32, #tpu.memory_space<vmem_shared>>) target(%dma_start3A_670 : memref<200xf32, #tpu.memory_space<vmem>>) offsets(%dma_start3A_671 : memref<200xi32, #tpu.memory_space<vmem>>) semaphore(%arg12 : memref<!tpu.dma_semaphore, #tpu.memory_space<semaphore_mem>>)
      } else {
      }
      %add3A_197 = arith.constant 1 : i32
      %add3A_198 = arith.addi %mul3A_47, %add3A_197 : i32
      %dma_wait3A_199 = arith.constant 0 : i32
      %dma_wait3A_200 = tpu.memref_slice %arg8[%dma_wait3A_199] : memref<208xf32, #tpu.memory_space<vmem>> -> memref<200xf32, #tpu.memory_space<vmem>>
      %dma_wait3A_201 = arith.constant 0 : i32
      %dma_wait3A_202 = tpu.memref_slice %arg5[%dma_wait3A_201] : memref<25600xi32, #tpu.memory_space<vmem>> -> memref<200xi32, #tpu.memory_space<vmem>>
      %dma_wait3A_203 = arith.constant 0 : i32
      %dma_wait3A_204 = tpu.memref_slice %arg6[%dma_wait3A_203] : memref<1015808xf32, #tpu.memory_space<vmem_shared>> -> memref<1015808xf32, #tpu.memory_space<vmem_shared>>
      tpu.wait_indirect_dma semaphore(%arg13 : memref<!tpu.dma_semaphore, #tpu.memory_space<semaphore_mem>>) src(%dma_wait3A_204 : memref<1015808xf32, #tpu.memory_space<vmem_shared>>) dst(%dma_wait3A_200 : memref<200xf32, #tpu.memory_space<vmem>>)
      %scan3A_205 = arith.constant 0 : i32
      %mul3A_206 = arith.constant 16 : i32
      %mul3A_207 = arith.muli %scan3A_205, %mul3A_206 : i32
      %get3A_208 = arith.index_cast %mul3A_207 : i32 to index
      %get3A_209 = tpu.vector_load %arg8[%get3A_208] {strides = array<i32>} : memref<208xf32, #tpu.memory_space<vmem>>, vector<16xf32>,
      %bitcast3A_210 = vector.bitcast %get3A_209 : vector<16xf32> to vector<32xbf16>
      %unpack3A_211 = tpu.unpack_subelements %bitcast3A_210, 0 {pack_format = #tpu.pack_format<interleaved>} : vector<32xbf16> -> vector<16xf32>
      %unpack3A_212 = tpu.unpack_subelements %bitcast3A_210, 1 {pack_format = #tpu.pack_format<interleaved>} : vector<32xbf16> -> vector<16xf32>
      %add3A_213 = arith.addf %broadcast_in_dim3A_7, %unpack3A_211 : vector<16xf32>
      %add3A_214 = arith.addf %broadcast_in_dim3A_7, %unpack3A_212 : vector<16xf32>
      %scan3A_215 = arith.constant 1 : i32
      %mul3A_216 = arith.constant 16 : i32
      %mul3A_217 = arith.muli %scan3A_215, %mul3A_216 : i32
      %get3A_218 = arith.index_cast %mul3A_217 : i32 to index
      %get3A_219 = tpu.vector_load %arg8[%get3A_218] {strides = array<i32>} : memref<208xf32, #tpu.memory_space<vmem>>, vector<16xf32>,
      %bitcast3A_220 = vector.bitcast %get3A_219 : vector<16xf32> to vector<32xbf16>
      %unpack3A_221 = tpu.unpack_subelements %bitcast3A_220, 0 {pack_format = #tpu.pack_format<interleaved>} : vector<32xbf16> -> vector<16xf32>
      %unpack3A_222 = tpu.unpack_subelements %bitcast3A_220, 1 {pack_format = #tpu.pack_format<interleaved>} : vector<32xbf16> -> vector<16xf32>
      %add3A_223 = arith.addf %add3A_213, %unpack3A_221 : vector<16xf32>
      %add3A_224 = arith.addf %add3A_214, %unpack3A_222 : vector<16xf32>
      %scan3A_225 = arith.constant 2 : i32
      %mul3A_226 = arith.constant 16 : i32
      %mul3A_227 = arith.muli %scan3A_225, %mul3A_226 : i32
      %get3A_228 = arith.index_cast %mul3A_227 : i32 to index
      %get3A_229 = tpu.vector_load %arg8[%get3A_228] {strides = array<i32>} : memref<208xf32, #tpu.memory_space<vmem>>, vector<16xf32>,
      %bitcast3A_230 = vector.bitcast %get3A_229 : vector<16xf32> to vector<32xbf16>
      %unpack3A_231 = tpu.unpack_subelements %bitcast3A_230, 0 {pack_format = #tpu.pack_format<interleaved>} : vector<32xbf16> -> vector<16xf32>
      %unpack3A_232 = tpu.unpack_subelements %bitcast3A_230, 1 {pack_format = #tpu.pack_format<interleaved>} : vector<32xbf16> -> vector<16xf32>
      %add3A_233 = arith.addf %add3A_223, %unpack3A_231 : vector<16xf32>
      %add3A_234 = arith.addf %add3A_224, %unpack3A_232 : vector<16xf32>
      %scan3A_235 = arith.constant 3 : i32
      %mul3A_236 = arith.constant 16 : i32
      %mul3A_237 = arith.muli %scan3A_235, %mul3A_236 : i32
      %get3A_238 = arith.index_cast %mul3A_237 : i32 to index
      %get3A_239 = tpu.vector_load %arg8[%get3A_238] {strides = array<i32>} : memref<208xf32, #tpu.memory_space<vmem>>, vector<16xf32>,
      %bitcast3A_240 = vector.bitcast %get3A_239 : vector<16xf32> to vector<32xbf16>
      %unpack3A_241 = tpu.unpack_subelements %bitcast3A_240, 0 {pack_format = #tpu.pack_format<interleaved>} : vector<32xbf16> -> vector<16xf32>
      %unpack3A_242 = tpu.unpack_subelements %bitcast3A_240, 1 {pack_format = #tpu.pack_format<interleaved>} : vector<32xbf16> -> vector<16xf32>
      %add3A_243 = arith.addf %add3A_233, %unpack3A_241 : vector<16xf32>
      %add3A_244 = arith.addf %add3A_234, %unpack3A_242 : vector<16xf32>
      %scan3A_245 = arith.constant 4 : i32
      %mul3A_246 = arith.constant 16 : i32
      %mul3A_247 = arith.muli %scan3A_245, %mul3A_246 : i32
      %get3A_248 = arith.index_cast %mul3A_247 : i32 to index
      %get3A_249 = tpu.vector_load %arg8[%get3A_248] {strides = array<i32>} : memref<208xf32, #tpu.memory_space<vmem>>, vector<16xf32>,
      %bitcast3A_250 = vector.bitcast %get3A_249 : vector<16xf32> to vector<32xbf16>
      %unpack3A_251 = tpu.unpack_subelements %bitcast3A_250, 0 {pack_format = #tpu.pack_format<interleaved>} : vector<32xbf16> -> vector<16xf32>
      %unpack3A_252 = tpu.unpack_subelements %bitcast3A_250, 1 {pack_format = #tpu.pack_format<interleaved>} : vector<32xbf16> -> vector<16xf32>
      %add3A_253 = arith.addf %add3A_243, %unpack3A_251 : vector<16xf32>
      %add3A_254 = arith.addf %add3A_244, %unpack3A_252 : vector<16xf32>
      %scan3A_255 = arith.constant 5 : i32
      %mul3A_256 = arith.constant 16 : i32
      %mul3A_257 = arith.muli %scan3A_255, %mul3A_256 : i32
      %get3A_258 = arith.index_cast %mul3A_257 : i32 to index
      %get3A_259 = tpu.vector_load %arg8[%get3A_258] {strides = array<i32>} : memref<208xf32, #tpu.memory_space<vmem>>, vector<16xf32>,
      %bitcast3A_260 = vector.bitcast %get3A_259 : vector<16xf32> to vector<32xbf16>
      %unpack3A_261 = tpu.unpack_subelements %bitcast3A_260, 0 {pack_format = #tpu.pack_format<interleaved>} : vector<32xbf16> -> vector<16xf32>
      %unpack3A_262 = tpu.unpack_subelements %bitcast3A_260, 1 {pack_format = #tpu.pack_format<interleaved>} : vector<32xbf16> -> vector<16xf32>
      %add3A_263 = arith.addf %add3A_253, %unpack3A_261 : vector<16xf32>
      %add3A_264 = arith.addf %add3A_254, %unpack3A_262 : vector<16xf32>
      %scan3A_265 = arith.constant 6 : i32
      %mul3A_266 = arith.constant 16 : i32
      %mul3A_267 = arith.muli %scan3A_265, %mul3A_266 : i32
      %get3A_268 = arith.index_cast %mul3A_267 : i32 to index
      %get3A_269 = tpu.vector_load %arg8[%get3A_268] {strides = array<i32>} : memref<208xf32, #tpu.memory_space<vmem>>, vector<16xf32>,
      %bitcast3A_270 = vector.bitcast %get3A_269 : vector<16xf32> to vector<32xbf16>
      %unpack3A_271 = tpu.unpack_subelements %bitcast3A_270, 0 {pack_format = #tpu.pack_format<interleaved>} : vector<32xbf16> -> vector<16xf32>
      %unpack3A_272 = tpu.unpack_subelements %bitcast3A_270, 1 {pack_format = #tpu.pack_format<interleaved>} : vector<32xbf16> -> vector<16xf32>
      %add3A_273 = arith.addf %add3A_263, %unpack3A_271 : vector<16xf32>
      %add3A_274 = arith.addf %add3A_264, %unpack3A_272 : vector<16xf32>
      %scan3A_275 = arith.constant 7 : i32
      %mul3A_276 = arith.constant 16 : i32
      %mul3A_277 = arith.muli %scan3A_275, %mul3A_276 : i32
      %get3A_278 = arith.index_cast %mul3A_277 : i32 to index
      %get3A_279 = tpu.vector_load %arg8[%get3A_278] {strides = array<i32>} : memref<208xf32, #tpu.memory_space<vmem>>, vector<16xf32>,
      %bitcast3A_280 = vector.bitcast %get3A_279 : vector<16xf32> to vector<32xbf16>
      %unpack3A_281 = tpu.unpack_subelements %bitcast3A_280, 0 {pack_format = #tpu.pack_format<interleaved>} : vector<32xbf16> -> vector<16xf32>
      %unpack3A_282 = tpu.unpack_subelements %bitcast3A_280, 1 {pack_format = #tpu.pack_format<interleaved>} : vector<32xbf16> -> vector<16xf32>
      %add3A_283 = arith.addf %add3A_273, %unpack3A_281 : vector<16xf32>
      %add3A_284 = arith.addf %add3A_274, %unpack3A_282 : vector<16xf32>
      %scan3A_285 = arith.constant 8 : i32
      %mul3A_286 = arith.constant 16 : i32
      %mul3A_287 = arith.muli %scan3A_285, %mul3A_286 : i32
      %get3A_288 = arith.index_cast %mul3A_287 : i32 to index
      %get3A_289 = tpu.vector_load %arg8[%get3A_288] {strides = array<i32>} : memref<208xf32, #tpu.memory_space<vmem>>, vector<16xf32>,
      %bitcast3A_290 = vector.bitcast %get3A_289 : vector<16xf32> to vector<32xbf16>
      %unpack3A_291 = tpu.unpack_subelements %bitcast3A_290, 0 {pack_format = #tpu.pack_format<interleaved>} : vector<32xbf16> -> vector<16xf32>
      %unpack3A_292 = tpu.unpack_subelements %bitcast3A_290, 1 {pack_format = #tpu.pack_format<interleaved>} : vector<32xbf16> -> vector<16xf32>
      %add3A_293 = arith.addf %add3A_283, %unpack3A_291 : vector<16xf32>
      %add3A_294 = arith.addf %add3A_284, %unpack3A_292 : vector<16xf32>
      %scan3A_295 = arith.constant 9 : i32
      %mul3A_296 = arith.constant 16 : i32
      %mul3A_297 = arith.muli %scan3A_295, %mul3A_296 : i32
      %get3A_298 = arith.index_cast %mul3A_297 : i32 to index
      %get3A_299 = tpu.vector_load %arg8[%get3A_298] {strides = array<i32>} : memref<208xf32, #tpu.memory_space<vmem>>, vector<16xf32>,
      %bitcast3A_300 = vector.bitcast %get3A_299 : vector<16xf32> to vector<32xbf16>
      %unpack3A_301 = tpu.unpack_subelements %bitcast3A_300, 0 {pack_format = #tpu.pack_format<interleaved>} : vector<32xbf16> -> vector<16xf32>
      %unpack3A_302 = tpu.unpack_subelements %bitcast3A_300, 1 {pack_format = #tpu.pack_format<interleaved>} : vector<32xbf16> -> vector<16xf32>
      %add3A_303 = arith.addf %add3A_293, %unpack3A_301 : vector<16xf32>
      %add3A_304 = arith.addf %add3A_294, %unpack3A_302 : vector<16xf32>
      %scan3A_305 = arith.constant 10 : i32
      %mul3A_306 = arith.constant 16 : i32
      %mul3A_307 = arith.muli %scan3A_305, %mul3A_306 : i32
      %get3A_308 = arith.index_cast %mul3A_307 : i32 to index
      %get3A_309 = tpu.vector_load %arg8[%get3A_308] {strides = array<i32>} : memref<208xf32, #tpu.memory_space<vmem>>, vector<16xf32>,
      %bitcast3A_310 = vector.bitcast %get3A_309 : vector<16xf32> to vector<32xbf16>
      %unpack3A_311 = tpu.unpack_subelements %bitcast3A_310, 0 {pack_format = #tpu.pack_format<interleaved>} : vector<32xbf16> -> vector<16xf32>
      %unpack3A_312 = tpu.unpack_subelements %bitcast3A_310, 1 {pack_format = #tpu.pack_format<interleaved>} : vector<32xbf16> -> vector<16xf32>
      %add3A_313 = arith.addf %add3A_303, %unpack3A_311 : vector<16xf32>
      %add3A_314 = arith.addf %add3A_304, %unpack3A_312 : vector<16xf32>
      %scan3A_315 = arith.constant 11 : i32
      %mul3A_316 = arith.constant 16 : i32
      %mul3A_317 = arith.muli %scan3A_315, %mul3A_316 : i32
      %get3A_318 = arith.index_cast %mul3A_317 : i32 to index
      %get3A_319 = tpu.vector_load %arg8[%get3A_318] {strides = array<i32>} : memref<208xf32, #tpu.memory_space<vmem>>, vector<16xf32>,
      %bitcast3A_320 = vector.bitcast %get3A_319 : vector<16xf32> to vector<32xbf16>
      %unpack3A_321 = tpu.unpack_subelements %bitcast3A_320, 0 {pack_format = #tpu.pack_format<interleaved>} : vector<32xbf16> -> vector<16xf32>
      %unpack3A_322 = tpu.unpack_subelements %bitcast3A_320, 1 {pack_format = #tpu.pack_format<interleaved>} : vector<32xbf16> -> vector<16xf32>
      %add3A_323 = arith.addf %add3A_313, %unpack3A_321 : vector<16xf32>
      %add3A_324 = arith.addf %add3A_314, %unpack3A_322 : vector<16xf32>
      %scan3A_325 = arith.constant 12 : i32
      %mul3A_326 = arith.constant 16 : i32
      %mul3A_327 = arith.muli %scan3A_325, %mul3A_326 : i32
      %get3A_328 = arith.index_cast %mul3A_327 : i32 to index
      %get3A_329 = tpu.vector_load %arg8[%get3A_328] {strides = array<i32>} : memref<208xf32, #tpu.memory_space<vmem>>, vector<16xf32>,
      %bitcast3A_330 = vector.bitcast %get3A_329 : vector<16xf32> to vector<32xbf16>
      %unpack3A_331 = tpu.unpack_subelements %bitcast3A_330, 0 {pack_format = #tpu.pack_format<interleaved>} : vector<32xbf16> -> vector<16xf32>
      %unpack3A_332 = tpu.unpack_subelements %bitcast3A_330, 1 {pack_format = #tpu.pack_format<interleaved>} : vector<32xbf16> -> vector<16xf32>
      %add3A_333 = arith.addf %add3A_323, %unpack3A_331 : vector<16xf32>
      %add3A_334 = arith.addf %add3A_324, %unpack3A_332 : vector<16xf32>
      %scan3A_335 = arith.constant 13 : i32
      %mul3A_336 = arith.constant 32 : i32
      %mul3A_337 = arith.muli %add3A_198, %mul3A_336 : i32
      %swap3A_338 = arith.index_cast %mul3A_337 : i32 to index
      %swap3A_339 = tpu.vector_load %arg11[%swap3A_338] {strides = array<i32>} : memref<4096xf32, #tpu.memory_space<vmem>>, vector<16xf32>,
      tpu.vector_store %arg11[%swap3A_338], %add3A_333 {strides = array<i32>} : memref<4096xf32, #tpu.memory_space<vmem>>, vector<16xf32>,
      %mul3A_340 = arith.constant 32 : i32
      %mul3A_341 = arith.muli %add3A_198, %mul3A_340 : i32
      %add3A_342 = arith.constant 16 : i32
      %add3A_343 = arith.addi %mul3A_341, %add3A_342 : i32
      %swap3A_344 = arith.index_cast %add3A_343 : i32 to index
      %swap3A_345 = tpu.vector_load %arg11[%swap3A_344] {strides = array<i32>} : memref<4096xf32, #tpu.memory_space<vmem>>, vector<16xf32>,
      tpu.vector_store %arg11[%swap3A_344], %add3A_334 {strides = array<i32>} : memref<4096xf32, #tpu.memory_space<vmem>>, vector<16xf32>,
      %add3A_346 = arith.constant 4 : i32
      %add3A_347 = arith.addi %add3A_198, %add3A_346 : i32
      %lt3A_348 = arith.constant 128 : i32
      %lt3A_349 = arith.cmpi slt, %add3A_347, %lt3A_348 : i32
      %convert_element_type3A_350 = arith.extui %lt3A_349 : i1 to i32
      %cond3A_351 = arith.constant 0 : i32
      %cond3A_352 = arith.cmpi ne, %convert_element_type3A_350, %cond3A_351 : i32
      scf.if %cond3A_352 {
        %add3A_665 = arith.constant 4 : i32
        %add3A_666 = arith.addi %add3A_198, %add3A_665 : i32
        %mul3A_667 = arith.constant 200 : i32
        %mul3A_668 = arith.muli %add3A_666, %mul3A_667 : i32
        %dma_start3A_669 = arith.constant 0 : i32
        %dma_start3A_670 = tpu.memref_slice %arg8[%dma_start3A_669] : memref<208xf32, #tpu.memory_space<vmem>> -> memref<200xf32, #tpu.memory_space<vmem>>
        %dma_start3A_671 = tpu.memref_slice %arg5[%mul3A_668] : memref<25600xi32, #tpu.memory_space<vmem>> -> memref<200xi32, #tpu.memory_space<vmem>>
        %dma_start3A_672 = arith.constant 0 : i32
        %dma_start3A_673 = tpu.memref_slice %arg6[%dma_start3A_672] : memref<1015808xf32, #tpu.memory_space<vmem_shared>> -> memref<1015808xf32, #tpu.memory_space<vmem_shared>>
        tpu.enqueue_indirect_dma source(%dma_start3A_673 : memref<1015808xf32, #tpu.memory_space<vmem_shared>>) target(%dma_start3A_670 : memref<200xf32, #tpu.memory_space<vmem>>) offsets(%dma_start3A_671 : memref<200xi32, #tpu.memory_space<vmem>>) semaphore(%arg13 : memref<!tpu.dma_semaphore, #tpu.memory_space<semaphore_mem>>)
      } else {
      }
      %add3A_353 = arith.constant 2 : i32
      %add3A_354 = arith.addi %mul3A_47, %add3A_353 : i32
      %dma_wait3A_355 = arith.constant 0 : i32
      %dma_wait3A_356 = tpu.memref_slice %arg9[%dma_wait3A_355] : memref<208xf32, #tpu.memory_space<vmem>> -> memref<200xf32, #tpu.memory_space<vmem>>
      %dma_wait3A_357 = arith.constant 0 : i32
      %dma_wait3A_358 = tpu.memref_slice %arg5[%dma_wait3A_357] : memref<25600xi32, #tpu.memory_space<vmem>> -> memref<200xi32, #tpu.memory_space<vmem>>
      %dma_wait3A_359 = arith.constant 0 : i32
      %dma_wait3A_360 = tpu.memref_slice %arg6[%dma_wait3A_359] : memref<1015808xf32, #tpu.memory_space<vmem_shared>> -> memref<1015808xf32, #tpu.memory_space<vmem_shared>>
      tpu.wait_indirect_dma semaphore(%arg14 : memref<!tpu.dma_semaphore, #tpu.memory_space<semaphore_mem>>) src(%dma_wait3A_360 : memref<1015808xf32, #tpu.memory_space<vmem_shared>>) dst(%dma_wait3A_356 : memref<200xf32, #tpu.memory_space<vmem>>)
      %scan3A_361 = arith.constant 0 : i32
      %mul3A_362 = arith.constant 16 : i32
      %mul3A_363 = arith.muli %scan3A_361, %mul3A_362 : i32
      %get3A_364 = arith.index_cast %mul3A_363 : i32 to index
      %get3A_365 = tpu.vector_load %arg9[%get3A_364] {strides = array<i32>} : memref<208xf32, #tpu.memory_space<vmem>>, vector<16xf32>,
      %bitcast3A_366 = vector.bitcast %get3A_365 : vector<16xf32> to vector<32xbf16>
      %unpack3A_367 = tpu.unpack_subelements %bitcast3A_366, 0 {pack_format = #tpu.pack_format<interleaved>} : vector<32xbf16> -> vector<16xf32>
      %unpack3A_368 = tpu.unpack_subelements %bitcast3A_366, 1 {pack_format = #tpu.pack_format<interleaved>} : vector<32xbf16> -> vector<16xf32>
      %add3A_369 = arith.addf %broadcast_in_dim3A_7, %unpack3A_367 : vector<16xf32>
      %add3A_370 = arith.addf %broadcast_in_dim3A_7, %unpack3A_368 : vector<16xf32>
      %scan3A_371 = arith.constant 1 : i32
      %mul3A_372 = arith.constant 16 : i32
      %mul3A_373 = arith.muli %scan3A_371, %mul3A_372 : i32
      %get3A_374 = arith.index_cast %mul3A_373 : i32 to index
      %get3A_375 = tpu.vector_load %arg9[%get3A_374] {strides = array<i32>} : memref<208xf32, #tpu.memory_space<vmem>>, vector<16xf32>,
      %bitcast3A_376 = vector.bitcast %get3A_375 : vector<16xf32> to vector<32xbf16>
      %unpack3A_377 = tpu.unpack_subelements %bitcast3A_376, 0 {pack_format = #tpu.pack_format<interleaved>} : vector<32xbf16> -> vector<16xf32>
      %unpack3A_378 = tpu.unpack_subelements %bitcast3A_376, 1 {pack_format = #tpu.pack_format<interleaved>} : vector<32xbf16> -> vector<16xf32>
      %add3A_379 = arith.addf %add3A_369, %unpack3A_377 : vector<16xf32>
      %add3A_380 = arith.addf %add3A_370, %unpack3A_378 : vector<16xf32>
      %scan3A_381 = arith.constant 2 : i32
      %mul3A_382 = arith.constant 16 : i32
      %mul3A_383 = arith.muli %scan3A_381, %mul3A_382 : i32
      %get3A_384 = arith.index_cast %mul3A_383 : i32 to index
      %get3A_385 = tpu.vector_load %arg9[%get3A_384] {strides = array<i32>} : memref<208xf32, #tpu.memory_space<vmem>>, vector<16xf32>,
      %bitcast3A_386 = vector.bitcast %get3A_385 : vector<16xf32> to vector<32xbf16>
      %unpack3A_387 = tpu.unpack_subelements %bitcast3A_386, 0 {pack_format = #tpu.pack_format<interleaved>} : vector<32xbf16> -> vector<16xf32>
      %unpack3A_388 = tpu.unpack_subelements %bitcast3A_386, 1 {pack_format = #tpu.pack_format<interleaved>} : vector<32xbf16> -> vector<16xf32>
      %add3A_389 = arith.addf %add3A_379, %unpack3A_387 : vector<16xf32>
      %add3A_390 = arith.addf %add3A_380, %unpack3A_388 : vector<16xf32>
      %scan3A_391 = arith.constant 3 : i32
      %mul3A_392 = arith.constant 16 : i32
      %mul3A_393 = arith.muli %scan3A_391, %mul3A_392 : i32
      %get3A_394 = arith.index_cast %mul3A_393 : i32 to index
      %get3A_395 = tpu.vector_load %arg9[%get3A_394] {strides = array<i32>} : memref<208xf32, #tpu.memory_space<vmem>>, vector<16xf32>,
      %bitcast3A_396 = vector.bitcast %get3A_395 : vector<16xf32> to vector<32xbf16>
      %unpack3A_397 = tpu.unpack_subelements %bitcast3A_396, 0 {pack_format = #tpu.pack_format<interleaved>} : vector<32xbf16> -> vector<16xf32>
      %unpack3A_398 = tpu.unpack_subelements %bitcast3A_396, 1 {pack_format = #tpu.pack_format<interleaved>} : vector<32xbf16> -> vector<16xf32>
      %add3A_399 = arith.addf %add3A_389, %unpack3A_397 : vector<16xf32>
      %add3A_400 = arith.addf %add3A_390, %unpack3A_398 : vector<16xf32>
      %scan3A_401 = arith.constant 4 : i32
      %mul3A_402 = arith.constant 16 : i32
      %mul3A_403 = arith.muli %scan3A_401, %mul3A_402 : i32
      %get3A_404 = arith.index_cast %mul3A_403 : i32 to index
      %get3A_405 = tpu.vector_load %arg9[%get3A_404] {strides = array<i32>} : memref<208xf32, #tpu.memory_space<vmem>>, vector<16xf32>,
      %bitcast3A_406 = vector.bitcast %get3A_405 : vector<16xf32> to vector<32xbf16>
      %unpack3A_407 = tpu.unpack_subelements %bitcast3A_406, 0 {pack_format = #tpu.pack_format<interleaved>} : vector<32xbf16> -> vector<16xf32>
      %unpack3A_408 = tpu.unpack_subelements %bitcast3A_406, 1 {pack_format = #tpu.pack_format<interleaved>} : vector<32xbf16> -> vector<16xf32>
      %add3A_409 = arith.addf %add3A_399, %unpack3A_407 : vector<16xf32>
      %add3A_410 = arith.addf %add3A_400, %unpack3A_408 : vector<16xf32>
      %scan3A_411 = arith.constant 5 : i32
      %mul3A_412 = arith.constant 16 : i32
      %mul3A_413 = arith.muli %scan3A_411, %mul3A_412 : i32
      %get3A_414 = arith.index_cast %mul3A_413 : i32 to index
      %get3A_415 = tpu.vector_load %arg9[%get3A_414] {strides = array<i32>} : memref<208xf32, #tpu.memory_space<vmem>>, vector<16xf32>,
      %bitcast3A_416 = vector.bitcast %get3A_415 : vector<16xf32> to vector<32xbf16>
      %unpack3A_417 = tpu.unpack_subelements %bitcast3A_416, 0 {pack_format = #tpu.pack_format<interleaved>} : vector<32xbf16> -> vector<16xf32>
      %unpack3A_418 = tpu.unpack_subelements %bitcast3A_416, 1 {pack_format = #tpu.pack_format<interleaved>} : vector<32xbf16> -> vector<16xf32>
      %add3A_419 = arith.addf %add3A_409, %unpack3A_417 : vector<16xf32>
      %add3A_420 = arith.addf %add3A_410, %unpack3A_418 : vector<16xf32>
      %scan3A_421 = arith.constant 6 : i32
      %mul3A_422 = arith.constant 16 : i32
      %mul3A_423 = arith.muli %scan3A_421, %mul3A_422 : i32
      %get3A_424 = arith.index_cast %mul3A_423 : i32 to index
      %get3A_425 = tpu.vector_load %arg9[%get3A_424] {strides = array<i32>} : memref<208xf32, #tpu.memory_space<vmem>>, vector<16xf32>,
      %bitcast3A_426 = vector.bitcast %get3A_425 : vector<16xf32> to vector<32xbf16>
      %unpack3A_427 = tpu.unpack_subelements %bitcast3A_426, 0 {pack_format = #tpu.pack_format<interleaved>} : vector<32xbf16> -> vector<16xf32>
      %unpack3A_428 = tpu.unpack_subelements %bitcast3A_426, 1 {pack_format = #tpu.pack_format<interleaved>} : vector<32xbf16> -> vector<16xf32>
      %add3A_429 = arith.addf %add3A_419, %unpack3A_427 : vector<16xf32>
      %add3A_430 = arith.addf %add3A_420, %unpack3A_428 : vector<16xf32>
      %scan3A_431 = arith.constant 7 : i32
      %mul3A_432 = arith.constant 16 : i32
      %mul3A_433 = arith.muli %scan3A_431, %mul3A_432 : i32
      %get3A_434 = arith.index_cast %mul3A_433 : i32 to index
      %get3A_435 = tpu.vector_load %arg9[%get3A_434] {strides = array<i32>} : memref<208xf32, #tpu.memory_space<vmem>>, vector<16xf32>,
      %bitcast3A_436 = vector.bitcast %get3A_435 : vector<16xf32> to vector<32xbf16>
      %unpack3A_437 = tpu.unpack_subelements %bitcast3A_436, 0 {pack_format = #tpu.pack_format<interleaved>} : vector<32xbf16> -> vector<16xf32>
      %unpack3A_438 = tpu.unpack_subelements %bitcast3A_436, 1 {pack_format = #tpu.pack_format<interleaved>} : vector<32xbf16> -> vector<16xf32>
      %add3A_439 = arith.addf %add3A_429, %unpack3A_437 : vector<16xf32>
      %add3A_440 = arith.addf %add3A_430, %unpack3A_438 : vector<16xf32>
      %scan3A_441 = arith.constant 8 : i32
      %mul3A_442 = arith.constant 16 : i32
      %mul3A_443 = arith.muli %scan3A_441, %mul3A_442 : i32
      %get3A_444 = arith.index_cast %mul3A_443 : i32 to index
      %get3A_445 = tpu.vector_load %arg9[%get3A_444] {strides = array<i32>} : memref<208xf32, #tpu.memory_space<vmem>>, vector<16xf32>,
      %bitcast3A_446 = vector.bitcast %get3A_445 : vector<16xf32> to vector<32xbf16>
      %unpack3A_447 = tpu.unpack_subelements %bitcast3A_446, 0 {pack_format = #tpu.pack_format<interleaved>} : vector<32xbf16> -> vector<16xf32>
      %unpack3A_448 = tpu.unpack_subelements %bitcast3A_446, 1 {pack_format = #tpu.pack_format<interleaved>} : vector<32xbf16> -> vector<16xf32>
      %add3A_449 = arith.addf %add3A_439, %unpack3A_447 : vector<16xf32>
      %add3A_450 = arith.addf %add3A_440, %unpack3A_448 : vector<16xf32>
      %scan3A_451 = arith.constant 9 : i32
      %mul3A_452 = arith.constant 16 : i32
      %mul3A_453 = arith.muli %scan3A_451, %mul3A_452 : i32
      %get3A_454 = arith.index_cast %mul3A_453 : i32 to index
      %get3A_455 = tpu.vector_load %arg9[%get3A_454] {strides = array<i32>} : memref<208xf32, #tpu.memory_space<vmem>>, vector<16xf32>,
      %bitcast3A_456 = vector.bitcast %get3A_455 : vector<16xf32> to vector<32xbf16>
      %unpack3A_457 = tpu.unpack_subelements %bitcast3A_456, 0 {pack_format = #tpu.pack_format<interleaved>} : vector<32xbf16> -> vector<16xf32>
      %unpack3A_458 = tpu.unpack_subelements %bitcast3A_456, 1 {pack_format = #tpu.pack_format<interleaved>} : vector<32xbf16> -> vector<16xf32>
      %add3A_459 = arith.addf %add3A_449, %unpack3A_457 : vector<16xf32>
      %add3A_460 = arith.addf %add3A_450, %unpack3A_458 : vector<16xf32>
      %scan3A_461 = arith.constant 10 : i32
      %mul3A_462 = arith.constant 16 : i32
      %mul3A_463 = arith.muli %scan3A_461, %mul3A_462 : i32
      %get3A_464 = arith.index_cast %mul3A_463 : i32 to index
      %get3A_465 = tpu.vector_load %arg9[%get3A_464] {strides = array<i32>} : memref<208xf32, #tpu.memory_space<vmem>>, vector<16xf32>,
      %bitcast3A_466 = vector.bitcast %get3A_465 : vector<16xf32> to vector<32xbf16>
      %unpack3A_467 = tpu.unpack_subelements %bitcast3A_466, 0 {pack_format = #tpu.pack_format<interleaved>} : vector<32xbf16> -> vector<16xf32>
      %unpack3A_468 = tpu.unpack_subelements %bitcast3A_466, 1 {pack_format = #tpu.pack_format<interleaved>} : vector<32xbf16> -> vector<16xf32>
      %add3A_469 = arith.addf %add3A_459, %unpack3A_467 : vector<16xf32>
      %add3A_470 = arith.addf %add3A_460, %unpack3A_468 : vector<16xf32>
      %scan3A_471 = arith.constant 11 : i32
      %mul3A_472 = arith.constant 16 : i32
      %mul3A_473 = arith.muli %scan3A_471, %mul3A_472 : i32
      %get3A_474 = arith.index_cast %mul3A_473 : i32 to index
      %get3A_475 = tpu.vector_load %arg9[%get3A_474] {strides = array<i32>} : memref<208xf32, #tpu.memory_space<vmem>>, vector<16xf32>,
      %bitcast3A_476 = vector.bitcast %get3A_475 : vector<16xf32> to vector<32xbf16>
      %unpack3A_477 = tpu.unpack_subelements %bitcast3A_476, 0 {pack_format = #tpu.pack_format<interleaved>} : vector<32xbf16> -> vector<16xf32>
      %unpack3A_478 = tpu.unpack_subelements %bitcast3A_476, 1 {pack_format = #tpu.pack_format<interleaved>} : vector<32xbf16> -> vector<16xf32>
      %add3A_479 = arith.addf %add3A_469, %unpack3A_477 : vector<16xf32>
      %add3A_480 = arith.addf %add3A_470, %unpack3A_478 : vector<16xf32>
      %scan3A_481 = arith.constant 12 : i32
      %mul3A_482 = arith.constant 16 : i32
      %mul3A_483 = arith.muli %scan3A_481, %mul3A_482 : i32
      %get3A_484 = arith.index_cast %mul3A_483 : i32 to index
      %get3A_485 = tpu.vector_load %arg9[%get3A_484] {strides = array<i32>} : memref<208xf32, #tpu.memory_space<vmem>>, vector<16xf32>,
      %bitcast3A_486 = vector.bitcast %get3A_485 : vector<16xf32> to vector<32xbf16>
      %unpack3A_487 = tpu.unpack_subelements %bitcast3A_486, 0 {pack_format = #tpu.pack_format<interleaved>} : vector<32xbf16> -> vector<16xf32>
      %unpack3A_488 = tpu.unpack_subelements %bitcast3A_486, 1 {pack_format = #tpu.pack_format<interleaved>} : vector<32xbf16> -> vector<16xf32>
      %add3A_489 = arith.addf %add3A_479, %unpack3A_487 : vector<16xf32>
      %add3A_490 = arith.addf %add3A_480, %unpack3A_488 : vector<16xf32>
      %scan3A_491 = arith.constant 13 : i32
      %mul3A_492 = arith.constant 32 : i32
      %mul3A_493 = arith.muli %add3A_354, %mul3A_492 : i32
      %swap3A_494 = arith.index_cast %mul3A_493 : i32 to index
      %swap3A_495 = tpu.vector_load %arg11[%swap3A_494] {strides = array<i32>} : memref<4096xf32, #tpu.memory_space<vmem>>, vector<16xf32>,
      tpu.vector_store %arg11[%swap3A_494], %add3A_489 {strides = array<i32>} : memref<4096xf32, #tpu.memory_space<vmem>>, vector<16xf32>,
      %mul3A_496 = arith.constant 32 : i32
      %mul3A_497 = arith.muli %add3A_354, %mul3A_496 : i32
      %add3A_498 = arith.constant 16 : i32
      %add3A_499 = arith.addi %mul3A_497, %add3A_498 : i32
      %swap3A_500 = arith.index_cast %add3A_499 : i32 to index
      %swap3A_501 = tpu.vector_load %arg11[%swap3A_500] {strides = array<i32>} : memref<4096xf32, #tpu.memory_space<vmem>>, vector<16xf32>,
      tpu.vector_store %arg11[%swap3A_500], %add3A_490 {strides = array<i32>} : memref<4096xf32, #tpu.memory_space<vmem>>, vector<16xf32>,
      %add3A_502 = arith.constant 4 : i32
      %add3A_503 = arith.addi %add3A_354, %add3A_502 : i32
      %lt3A_504 = arith.constant 128 : i32
      %lt3A_505 = arith.cmpi slt, %add3A_503, %lt3A_504 : i32
      %convert_element_type3A_506 = arith.extui %lt3A_505 : i1 to i32
      %cond3A_507 = arith.constant 0 : i32
      %cond3A_508 = arith.cmpi ne, %convert_element_type3A_506, %cond3A_507 : i32
      scf.if %cond3A_508 {
        %add3A_665 = arith.constant 4 : i32
        %add3A_666 = arith.addi %add3A_354, %add3A_665 : i32
        %mul3A_667 = arith.constant 200 : i32
        %mul3A_668 = arith.muli %add3A_666, %mul3A_667 : i32
        %dma_start3A_669 = arith.constant 0 : i32
        %dma_start3A_670 = tpu.memref_slice %arg9[%dma_start3A_669] : memref<208xf32, #tpu.memory_space<vmem>> -> memref<200xf32, #tpu.memory_space<vmem>>
        %dma_start3A_671 = tpu.memref_slice %arg5[%mul3A_668] : memref<25600xi32, #tpu.memory_space<vmem>> -> memref<200xi32, #tpu.memory_space<vmem>>
        %dma_start3A_672 = arith.constant 0 : i32
        %dma_start3A_673 = tpu.memref_slice %arg6[%dma_start3A_672] : memref<1015808xf32, #tpu.memory_space<vmem_shared>> -> memref<1015808xf32, #tpu.memory_space<vmem_shared>>
        tpu.enqueue_indirect_dma source(%dma_start3A_673 : memref<1015808xf32, #tpu.memory_space<vmem_shared>>) target(%dma_start3A_670 : memref<200xf32, #tpu.memory_space<vmem>>) offsets(%dma_start3A_671 : memref<200xi32, #tpu.memory_space<vmem>>) semaphore(%arg14 : memref<!tpu.dma_semaphore, #tpu.memory_space<semaphore_mem>>)
      } else {
      }
      %add3A_509 = arith.constant 3 : i32
      %add3A_510 = arith.addi %mul3A_47, %add3A_509 : i32
      %dma_wait3A_511 = arith.constant 0 : i32
      %dma_wait3A_512 = tpu.memref_slice %arg10[%dma_wait3A_511] : memref<208xf32, #tpu.memory_space<vmem>> -> memref<200xf32, #tpu.memory_space<vmem>>
      %dma_wait3A_513 = arith.constant 0 : i32
      %dma_wait3A_514 = tpu.memref_slice %arg5[%dma_wait3A_513] : memref<25600xi32, #tpu.memory_space<vmem>> -> memref<200xi32, #tpu.memory_space<vmem>>
      %dma_wait3A_515 = arith.constant 0 : i32
      %dma_wait3A_516 = tpu.memref_slice %arg6[%dma_wait3A_515] : memref<1015808xf32, #tpu.memory_space<vmem_shared>> -> memref<1015808xf32, #tpu.memory_space<vmem_shared>>
      tpu.wait_indirect_dma semaphore(%arg15 : memref<!tpu.dma_semaphore, #tpu.memory_space<semaphore_mem>>) src(%dma_wait3A_516 : memref<1015808xf32, #tpu.memory_space<vmem_shared>>) dst(%dma_wait3A_512 : memref<200xf32, #tpu.memory_space<vmem>>)
      %scan3A_517 = arith.constant 0 : i32
      %mul3A_518 = arith.constant 16 : i32
      %mul3A_519 = arith.muli %scan3A_517, %mul3A_518 : i32
      %get3A_520 = arith.index_cast %mul3A_519 : i32 to index
      %get3A_521 = tpu.vector_load %arg10[%get3A_520] {strides = array<i32>} : memref<208xf32, #tpu.memory_space<vmem>>, vector<16xf32>,
      %bitcast3A_522 = vector.bitcast %get3A_521 : vector<16xf32> to vector<32xbf16>
      %unpack3A_523 = tpu.unpack_subelements %bitcast3A_522, 0 {pack_format = #tpu.pack_format<interleaved>} : vector<32xbf16> -> vector<16xf32>
      %unpack3A_524 = tpu.unpack_subelements %bitcast3A_522, 1 {pack_format = #tpu.pack_format<interleaved>} : vector<32xbf16> -> vector<16xf32>
      %add3A_525 = arith.addf %broadcast_in_dim3A_7, %unpack3A_523 : vector<16xf32>
      %add3A_526 = arith.addf %broadcast_in_dim3A_7, %unpack3A_524 : vector<16xf32>
      %scan3A_527 = arith.constant 1 : i32
      %mul3A_528 = arith.constant 16 : i32
      %mul3A_529 = arith.muli %scan3A_527, %mul3A_528 : i32
      %get3A_530 = arith.index_cast %mul3A_529 : i32 to index
      %get3A_531 = tpu.vector_load %arg10[%get3A_530] {strides = array<i32>} : memref<208xf32, #tpu.memory_space<vmem>>, vector<16xf32>,
      %bitcast3A_532 = vector.bitcast %get3A_531 : vector<16xf32> to vector<32xbf16>
      %unpack3A_533 = tpu.unpack_subelements %bitcast3A_532, 0 {pack_format = #tpu.pack_format<interleaved>} : vector<32xbf16> -> vector<16xf32>
      %unpack3A_534 = tpu.unpack_subelements %bitcast3A_532, 1 {pack_format = #tpu.pack_format<interleaved>} : vector<32xbf16> -> vector<16xf32>
      %add3A_535 = arith.addf %add3A_525, %unpack3A_533 : vector<16xf32>
      %add3A_536 = arith.addf %add3A_526, %unpack3A_534 : vector<16xf32>
      %scan3A_537 = arith.constant 2 : i32
      %mul3A_538 = arith.constant 16 : i32
      %mul3A_539 = arith.muli %scan3A_537, %mul3A_538 : i32
      %get3A_540 = arith.index_cast %mul3A_539 : i32 to index
      %get3A_541 = tpu.vector_load %arg10[%get3A_540] {strides = array<i32>} : memref<208xf32, #tpu.memory_space<vmem>>, vector<16xf32>,
      %bitcast3A_542 = vector.bitcast %get3A_541 : vector<16xf32> to vector<32xbf16>
      %unpack3A_543 = tpu.unpack_subelements %bitcast3A_542, 0 {pack_format = #tpu.pack_format<interleaved>} : vector<32xbf16> -> vector<16xf32>
      %unpack3A_544 = tpu.unpack_subelements %bitcast3A_542, 1 {pack_format = #tpu.pack_format<interleaved>} : vector<32xbf16> -> vector<16xf32>
      %add3A_545 = arith.addf %add3A_535, %unpack3A_543 : vector<16xf32>
      %add3A_546 = arith.addf %add3A_536, %unpack3A_544 : vector<16xf32>
      %scan3A_547 = arith.constant 3 : i32
      %mul3A_548 = arith.constant 16 : i32
      %mul3A_549 = arith.muli %scan3A_547, %mul3A_548 : i32
      %get3A_550 = arith.index_cast %mul3A_549 : i32 to index
      %get3A_551 = tpu.vector_load %arg10[%get3A_550] {strides = array<i32>} : memref<208xf32, #tpu.memory_space<vmem>>, vector<16xf32>,
      %bitcast3A_552 = vector.bitcast %get3A_551 : vector<16xf32> to vector<32xbf16>
      %unpack3A_553 = tpu.unpack_subelements %bitcast3A_552, 0 {pack_format = #tpu.pack_format<interleaved>} : vector<32xbf16> -> vector<16xf32>
      %unpack3A_554 = tpu.unpack_subelements %bitcast3A_552, 1 {pack_format = #tpu.pack_format<interleaved>} : vector<32xbf16> -> vector<16xf32>
      %add3A_555 = arith.addf %add3A_545, %unpack3A_553 : vector<16xf32>
      %add3A_556 = arith.addf %add3A_546, %unpack3A_554 : vector<16xf32>
      %scan3A_557 = arith.constant 4 : i32
      %mul3A_558 = arith.constant 16 : i32
      %mul3A_559 = arith.muli %scan3A_557, %mul3A_558 : i32
      %get3A_560 = arith.index_cast %mul3A_559 : i32 to index
      %get3A_561 = tpu.vector_load %arg10[%get3A_560] {strides = array<i32>} : memref<208xf32, #tpu.memory_space<vmem>>, vector<16xf32>,
      %bitcast3A_562 = vector.bitcast %get3A_561 : vector<16xf32> to vector<32xbf16>
      %unpack3A_563 = tpu.unpack_subelements %bitcast3A_562, 0 {pack_format = #tpu.pack_format<interleaved>} : vector<32xbf16> -> vector<16xf32>
      %unpack3A_564 = tpu.unpack_subelements %bitcast3A_562, 1 {pack_format = #tpu.pack_format<interleaved>} : vector<32xbf16> -> vector<16xf32>
      %add3A_565 = arith.addf %add3A_555, %unpack3A_563 : vector<16xf32>
      %add3A_566 = arith.addf %add3A_556, %unpack3A_564 : vector<16xf32>
      %scan3A_567 = arith.constant 5 : i32
      %mul3A_568 = arith.constant 16 : i32
      %mul3A_569 = arith.muli %scan3A_567, %mul3A_568 : i32
      %get3A_570 = arith.index_cast %mul3A_569 : i32 to index
      %get3A_571 = tpu.vector_load %arg10[%get3A_570] {strides = array<i32>} : memref<208xf32, #tpu.memory_space<vmem>>, vector<16xf32>,
      %bitcast3A_572 = vector.bitcast %get3A_571 : vector<16xf32> to vector<32xbf16>
      %unpack3A_573 = tpu.unpack_subelements %bitcast3A_572, 0 {pack_format = #tpu.pack_format<interleaved>} : vector<32xbf16> -> vector<16xf32>
      %unpack3A_574 = tpu.unpack_subelements %bitcast3A_572, 1 {pack_format = #tpu.pack_format<interleaved>} : vector<32xbf16> -> vector<16xf32>
      %add3A_575 = arith.addf %add3A_565, %unpack3A_573 : vector<16xf32>
      %add3A_576 = arith.addf %add3A_566, %unpack3A_574 : vector<16xf32>
      %scan3A_577 = arith.constant 6 : i32
      %mul3A_578 = arith.constant 16 : i32
      %mul3A_579 = arith.muli %scan3A_577, %mul3A_578 : i32
      %get3A_580 = arith.index_cast %mul3A_579 : i32 to index
      %get3A_581 = tpu.vector_load %arg10[%get3A_580] {strides = array<i32>} : memref<208xf32, #tpu.memory_space<vmem>>, vector<16xf32>,
      %bitcast3A_582 = vector.bitcast %get3A_581 : vector<16xf32> to vector<32xbf16>
      %unpack3A_583 = tpu.unpack_subelements %bitcast3A_582, 0 {pack_format = #tpu.pack_format<interleaved>} : vector<32xbf16> -> vector<16xf32>
      %unpack3A_584 = tpu.unpack_subelements %bitcast3A_582, 1 {pack_format = #tpu.pack_format<interleaved>} : vector<32xbf16> -> vector<16xf32>
      %add3A_585 = arith.addf %add3A_575, %unpack3A_583 : vector<16xf32>
      %add3A_586 = arith.addf %add3A_576, %unpack3A_584 : vector<16xf32>
      %scan3A_587 = arith.constant 7 : i32
      %mul3A_588 = arith.constant 16 : i32
      %mul3A_589 = arith.muli %scan3A_587, %mul3A_588 : i32
      %get3A_590 = arith.index_cast %mul3A_589 : i32 to index
      %get3A_591 = tpu.vector_load %arg10[%get3A_590] {strides = array<i32>} : memref<208xf32, #tpu.memory_space<vmem>>, vector<16xf32>,
      %bitcast3A_592 = vector.bitcast %get3A_591 : vector<16xf32> to vector<32xbf16>
      %unpack3A_593 = tpu.unpack_subelements %bitcast3A_592, 0 {pack_format = #tpu.pack_format<interleaved>} : vector<32xbf16> -> vector<16xf32>
      %unpack3A_594 = tpu.unpack_subelements %bitcast3A_592, 1 {pack_format = #tpu.pack_format<interleaved>} : vector<32xbf16> -> vector<16xf32>
      %add3A_595 = arith.addf %add3A_585, %unpack3A_593 : vector<16xf32>
      %add3A_596 = arith.addf %add3A_586, %unpack3A_594 : vector<16xf32>
      %scan3A_597 = arith.constant 8 : i32
      %mul3A_598 = arith.constant 16 : i32
      %mul3A_599 = arith.muli %scan3A_597, %mul3A_598 : i32
      %get3A_600 = arith.index_cast %mul3A_599 : i32 to index
      %get3A_601 = tpu.vector_load %arg10[%get3A_600] {strides = array<i32>} : memref<208xf32, #tpu.memory_space<vmem>>, vector<16xf32>,
      %bitcast3A_602 = vector.bitcast %get3A_601 : vector<16xf32> to vector<32xbf16>
      %unpack3A_603 = tpu.unpack_subelements %bitcast3A_602, 0 {pack_format = #tpu.pack_format<interleaved>} : vector<32xbf16> -> vector<16xf32>
      %unpack3A_604 = tpu.unpack_subelements %bitcast3A_602, 1 {pack_format = #tpu.pack_format<interleaved>} : vector<32xbf16> -> vector<16xf32>
      %add3A_605 = arith.addf %add3A_595, %unpack3A_603 : vector<16xf32>
      %add3A_606 = arith.addf %add3A_596, %unpack3A_604 : vector<16xf32>
      %scan3A_607 = arith.constant 9 : i32
      %mul3A_608 = arith.constant 16 : i32
      %mul3A_609 = arith.muli %scan3A_607, %mul3A_608 : i32
      %get3A_610 = arith.index_cast %mul3A_609 : i32 to index
      %get3A_611 = tpu.vector_load %arg10[%get3A_610] {strides = array<i32>} : memref<208xf32, #tpu.memory_space<vmem>>, vector<16xf32>,
      %bitcast3A_612 = vector.bitcast %get3A_611 : vector<16xf32> to vector<32xbf16>
      %unpack3A_613 = tpu.unpack_subelements %bitcast3A_612, 0 {pack_format = #tpu.pack_format<interleaved>} : vector<32xbf16> -> vector<16xf32>
      %unpack3A_614 = tpu.unpack_subelements %bitcast3A_612, 1 {pack_format = #tpu.pack_format<interleaved>} : vector<32xbf16> -> vector<16xf32>
      %add3A_615 = arith.addf %add3A_605, %unpack3A_613 : vector<16xf32>
      %add3A_616 = arith.addf %add3A_606, %unpack3A_614 : vector<16xf32>
      %scan3A_617 = arith.constant 10 : i32
      %mul3A_618 = arith.constant 16 : i32
      %mul3A_619 = arith.muli %scan3A_617, %mul3A_618 : i32
      %get3A_620 = arith.index_cast %mul3A_619 : i32 to index
      %get3A_621 = tpu.vector_load %arg10[%get3A_620] {strides = array<i32>} : memref<208xf32, #tpu.memory_space<vmem>>, vector<16xf32>,
      %bitcast3A_622 = vector.bitcast %get3A_621 : vector<16xf32> to vector<32xbf16>
      %unpack3A_623 = tpu.unpack_subelements %bitcast3A_622, 0 {pack_format = #tpu.pack_format<interleaved>} : vector<32xbf16> -> vector<16xf32>
      %unpack3A_624 = tpu.unpack_subelements %bitcast3A_622, 1 {pack_format = #tpu.pack_format<interleaved>} : vector<32xbf16> -> vector<16xf32>
      %add3A_625 = arith.addf %add3A_615, %unpack3A_623 : vector<16xf32>
      %add3A_626 = arith.addf %add3A_616, %unpack3A_624 : vector<16xf32>
      %scan3A_627 = arith.constant 11 : i32
      %mul3A_628 = arith.constant 16 : i32
      %mul3A_629 = arith.muli %scan3A_627, %mul3A_628 : i32
      %get3A_630 = arith.index_cast %mul3A_629 : i32 to index
      %get3A_631 = tpu.vector_load %arg10[%get3A_630] {strides = array<i32>} : memref<208xf32, #tpu.memory_space<vmem>>, vector<16xf32>,
      %bitcast3A_632 = vector.bitcast %get3A_631 : vector<16xf32> to vector<32xbf16>
      %unpack3A_633 = tpu.unpack_subelements %bitcast3A_632, 0 {pack_format = #tpu.pack_format<interleaved>} : vector<32xbf16> -> vector<16xf32>
      %unpack3A_634 = tpu.unpack_subelements %bitcast3A_632, 1 {pack_format = #tpu.pack_format<interleaved>} : vector<32xbf16> -> vector<16xf32>
      %add3A_635 = arith.addf %add3A_625, %unpack3A_633 : vector<16xf32>
      %add3A_636 = arith.addf %add3A_626, %unpack3A_634 : vector<16xf32>
      %scan3A_637 = arith.constant 12 : i32
      %mul3A_638 = arith.constant 16 : i32
      %mul3A_639 = arith.muli %scan3A_637, %mul3A_638 : i32
      %get3A_640 = arith.index_cast %mul3A_639 : i32 to index
      %get3A_641 = tpu.vector_load %arg10[%get3A_640] {strides = array<i32>} : memref<208xf32, #tpu.memory_space<vmem>>, vector<16xf32>,
      %bitcast3A_642 = vector.bitcast %get3A_641 : vector<16xf32> to vector<32xbf16>
      %unpack3A_643 = tpu.unpack_subelements %bitcast3A_642, 0 {pack_format = #tpu.pack_format<interleaved>} : vector<32xbf16> -> vector<16xf32>
      %unpack3A_644 = tpu.unpack_subelements %bitcast3A_642, 1 {pack_format = #tpu.pack_format<interleaved>} : vector<32xbf16> -> vector<16xf32>
      %add3A_645 = arith.addf %add3A_635, %unpack3A_643 : vector<16xf32>
      %add3A_646 = arith.addf %add3A_636, %unpack3A_644 : vector<16xf32>
      %scan3A_647 = arith.constant 13 : i32
      %mul3A_648 = arith.constant 32 : i32
      %mul3A_649 = arith.muli %add3A_510, %mul3A_648 : i32
      %swap3A_650 = arith.index_cast %mul3A_649 : i32 to index
      %swap3A_651 = tpu.vector_load %arg11[%swap3A_650] {strides = array<i32>} : memref<4096xf32, #tpu.memory_space<vmem>>, vector<16xf32>,
      tpu.vector_store %arg11[%swap3A_650], %add3A_645 {strides = array<i32>} : memref<4096xf32, #tpu.memory_space<vmem>>, vector<16xf32>,
      %mul3A_652 = arith.constant 32 : i32
      %mul3A_653 = arith.muli %add3A_510, %mul3A_652 : i32
      %add3A_654 = arith.constant 16 : i32
      %add3A_655 = arith.addi %mul3A_653, %add3A_654 : i32
      %swap3A_656 = arith.index_cast %add3A_655 : i32 to index
      %swap3A_657 = tpu.vector_load %arg11[%swap3A_656] {strides = array<i32>} : memref<4096xf32, #tpu.memory_space<vmem>>, vector<16xf32>,
      tpu.vector_store %arg11[%swap3A_656], %add3A_646 {strides = array<i32>} : memref<4096xf32, #tpu.memory_space<vmem>>, vector<16xf32>,
      %add3A_658 = arith.constant 4 : i32
      %add3A_659 = arith.addi %add3A_510, %add3A_658 : i32
      %lt3A_660 = arith.constant 128 : i32
      %lt3A_661 = arith.cmpi slt, %add3A_659, %lt3A_660 : i32
      %convert_element_type3A_662 = arith.extui %lt3A_661 : i1 to i32
      %cond3A_663 = arith.constant 0 : i32
      %cond3A_664 = arith.cmpi ne, %convert_element_type3A_662, %cond3A_663 : i32
      scf.if %cond3A_664 {
        %add3A_665 = arith.constant 4 : i32
        %add3A_666 = arith.addi %add3A_510, %add3A_665 : i32
        %mul3A_667 = arith.constant 200 : i32
        %mul3A_668 = arith.muli %add3A_666, %mul3A_667 : i32
        %dma_start3A_669 = arith.constant 0 : i32
        %dma_start3A_670 = tpu.memref_slice %arg10[%dma_start3A_669] : memref<208xf32, #tpu.memory_space<vmem>> -> memref<200xf32, #tpu.memory_space<vmem>>
        %dma_start3A_671 = tpu.memref_slice %arg5[%mul3A_668] : memref<25600xi32, #tpu.memory_space<vmem>> -> memref<200xi32, #tpu.memory_space<vmem>>
        %dma_start3A_672 = arith.constant 0 : i32
        %dma_start3A_673 = tpu.memref_slice %arg6[%dma_start3A_672] : memref<1015808xf32, #tpu.memory_space<vmem_shared>> -> memref<1015808xf32, #tpu.memory_space<vmem_shared>>
        tpu.enqueue_indirect_dma source(%dma_start3A_673 : memref<1015808xf32, #tpu.memory_space<vmem_shared>>) target(%dma_start3A_670 : memref<200xf32, #tpu.memory_space<vmem>>) offsets(%dma_start3A_671 : memref<200xi32, #tpu.memory_space<vmem>>) semaphore(%arg15 : memref<!tpu.dma_semaphore, #tpu.memory_space<semaphore_mem>>)
      } else {
      }
    }
    %scan3A_42 = arith.constant 32 : i32
    %mul3A_43 = arith.constant 32 : i32
    %mul3A_44 = arith.muli %mul3A_2, %mul3A_43 : i32
    "tpu.region"() ({
      %run_scoped3A = tpu.sem_alloc : memref<!tpu.dma_semaphore, #tpu.memory_space<semaphore_mem>>
      %dma_start3A_45 = tpu.memref_slice %arg4[%mul3A_44] : memref<131072xf32, #tpu.memory_space<hbm>> -> memref<4096xf32, #tpu.memory_space<hbm>>
      %dma_start3A_46 = tpu.memref_slice %arg4[%mul3A_44] : memref<131072xf32, #tpu.memory_space<hbm>> -> memref<4096xf32, #tpu.memory_space<hbm>>
      tpu.enqueue_dma source(%arg11 : memref<4096xf32, #tpu.memory_space<vmem>>) target(%dma_start3A_46 : memref<4096xf32, #tpu.memory_space<hbm>>) target_semaphore(%run_scoped3A : memref<!tpu.dma_semaphore, #tpu.memory_space<semaphore_mem>>)
      %dma_wait3A = tpu.memref_slice %arg4[%mul3A_44] : memref<131072xf32, #tpu.memory_space<hbm>> -> memref<4096xf32, #tpu.memory_space<hbm>>
      %dma_wait3A_47 = tpu.memref_slice %arg4[%mul3A_44] : memref<131072xf32, #tpu.memory_space<hbm>> -> memref<4096xf32, #tpu.memory_space<hbm>>
      tpu.wait_dma2 semaphore(%run_scoped3A : memref<!tpu.dma_semaphore, #tpu.memory_space<semaphore_mem>>) src(%arg11 : memref<4096xf32, #tpu.memory_space<vmem>>) dst(%dma_wait3A_47 : memref<4096xf32, #tpu.memory_space<hbm>>)
      tpu.yield
    }) : () -> ()
    return
  }
}

module attributes {stable_mosaic.version = 14 : i64} {
  func.func @proj_kernel(%arg0: i32, %arg1: memref<16384x64xf32, #tpu.memory_space<vmem>>, %arg2: memref<2x64xf32, #tpu.memory_space<vmem>>, %arg3: memref<2x16384xf32, #tpu.memory_space<vmem>>) attributes {dimension_semantics = [#tpu.dimension_semantics<arbitrary>], iteration_bounds = array<i64: 62>, scalar_prefetch = 0 : i64, scratch_operands = 0 : i64, tpu.core_type = #tpu.core_type<tc>, window_params = [{transform_indices = @transform_0, window_bounds = array<i64: 16384, 64>}, {pipeline_mode = #tpu.pipeline_mode<synchronous>, transform_indices = @transform_1, window_bounds = array<i64: 2, 64>}, {transform_indices = @transform_2, window_bounds = array<i64: 2, 16384>}]} {
    %get3A = arith.constant 0 : index
    %get3A_0 = arith.constant 0 : index
    %get3A_1 = vector.load %arg2[%get3A, %get3A_0] : memref<2x64xf32, #tpu.memory_space<vmem>>, vector<2x64xf32>
    %get3A_2 = arith.constant 0 : index
    %get3A_3 = arith.constant 0 : index
    %get3A_4 = vector.load %arg1[%get3A_2, %get3A_3] : memref<16384x64xf32, #tpu.memory_space<vmem>>, vector<16384x64xf32>
    %dot_general3A = arith.constant dense<0.000000e+00> : vector<2x16384xf32>
    %dot_general3A_5 = tpu.matmul %get3A_1, %get3A_4, %dot_general3A {dimension_numbers = #tpu.dot_dimension_numbers<[1], [1], [0], [0], [0, 0, 1, 0], [], []>, transpose_lhs_hint = false} : vector<2x64xf32>, vector<16384x64xf32>, vector<2x16384xf32> -> vector<2x16384xf32>
    %swap3A = arith.constant 0 : index
    %swap3A_6 = arith.constant 0 : index
    %swap3A_7 = vector.load %arg3[%swap3A, %swap3A_6] : memref<2x16384xf32, #tpu.memory_space<vmem>>, vector<2x16384xf32>
    tpu.vector_store %arg3[%swap3A, %swap3A_6], %dot_general3A_5 {strides = array<i32>} : memref<2x16384xf32, #tpu.memory_space<vmem>>, vector<2x16384xf32>,
    return
  }
  func.func @transform_0(%arg0: i32) -> (i32, i32) {
    %c0_i32 = arith.constant 0 : i32
    %c0_i32_0 = arith.constant 0 : i32
    return %arg0, %c0_i32 : i32, i32
  }
  func.func @transform_1(%arg0: i32) -> (i32, i32) {
    %c0_i32 = arith.constant 0 : i32
    %c0_i32_0 = arith.constant 0 : i32
    %c0_i32_1 = arith.constant 0 : i32
    return %c0_i32, %c0_i32_0 : i32, i32
  }
  func.func @transform_2(%arg0: i32) -> (i32, i32) {
    %c0_i32 = arith.constant 0 : i32
    %c0_i32_0 = arith.constant 0 : i32
    return %c0_i32, %arg0 : i32, i32
  }
}

module attributes {stable_mosaic.version = 14 : i64} {
  func.func @fold_kernel(%arg0: i32, %arg1: memref<512x32xf32, #tpu.memory_space<vmem>>, %arg2: memref<32x128xf32, #tpu.memory_space<vmem>>, %arg3: memref<1x128xf32, #tpu.memory_space<vmem>>, %arg4: memref<512x128xf32, #tpu.memory_space<vmem>>) attributes {dimension_semantics = [#tpu.dimension_semantics<arbitrary>], iteration_bounds = array<i64: 8>, scalar_prefetch = 0 : i64, scratch_operands = 0 : i64, tpu.core_type = #tpu.core_type<tc>, window_params = [{transform_indices = @transform_0, window_bounds = array<i64: 512, 32>}, {pipeline_mode = #tpu.pipeline_mode<synchronous>, transform_indices = @transform_1, window_bounds = array<i64: 32, 128>}, {pipeline_mode = #tpu.pipeline_mode<synchronous>, transform_indices = @transform_2, window_bounds = array<i64: 1, 128>}, {transform_indices = @transform_3, window_bounds = array<i64: 512, 128>}]} {
    %get3A = arith.constant 0 : index
    %get3A_0 = arith.constant 0 : index
    %get3A_1 = vector.load %arg1[%get3A, %get3A_0] : memref<512x32xf32, #tpu.memory_space<vmem>>, vector<512x32xf32>
    %get3A_2 = arith.constant 0 : index
    %get3A_3 = arith.constant 0 : index
    %get3A_4 = vector.load %arg2[%get3A_2, %get3A_3] : memref<32x128xf32, #tpu.memory_space<vmem>>, vector<32x128xf32>
    %dot_general3A = arith.constant dense<0.000000e+00> : vector<512x128xf32>
    %dot_general3A_5 = tpu.matmul %get3A_1, %get3A_4, %dot_general3A {dimension_numbers = #tpu.dot_dimension_numbers<[1], [0], [0], [1], [0, 0, 1, 1], [], []>, transpose_lhs_hint = false} : vector<512x32xf32>, vector<32x128xf32>, vector<512x128xf32> -> vector<512x128xf32>
    %get3A_6 = arith.constant 0 : index
    %get3A_7 = arith.constant 0 : index
    %get3A_8 = vector.load %arg3[%get3A_6, %get3A_7] : memref<1x128xf32, #tpu.memory_space<vmem>>, vector<1x128xf32>
    %add3A = vector.broadcast %get3A_8 : vector<1x128xf32> to vector<512x128xf32>
    %add3A_9 = arith.addf %dot_general3A_5, %add3A : vector<512x128xf32>
    %swap3A = arith.constant 0 : index
    %swap3A_10 = arith.constant 0 : index
    %swap3A_11 = vector.load %arg4[%swap3A, %swap3A_10] : memref<512x128xf32, #tpu.memory_space<vmem>>, vector<512x128xf32>
    tpu.vector_store %arg4[%swap3A, %swap3A_10], %add3A_9 {strides = array<i32>} : memref<512x128xf32, #tpu.memory_space<vmem>>, vector<512x128xf32>,
    return
  }
  func.func @transform_0(%arg0: i32) -> (i32, i32) {
    %c0_i32 = arith.constant 0 : i32
    %c0_i32_0 = arith.constant 0 : i32
    return %arg0, %c0_i32 : i32, i32
  }
  func.func @transform_1(%arg0: i32) -> (i32, i32) {
    %c0_i32 = arith.constant 0 : i32
    %c0_i32_0 = arith.constant 0 : i32
    %c0_i32_1 = arith.constant 0 : i32
    return %c0_i32, %c0_i32_0 : i32, i32
  }
  func.func @transform_2(%arg0: i32) -> (i32, i32) {
    %c0_i32 = arith.constant 0 : i32
    %c0_i32_0 = arith.constant 0 : i32
    %c0_i32_1 = arith.constant 0 : i32
    return %c0_i32, %c0_i32_0 : i32, i32
  }
  func.func @transform_3(%arg0: i32) -> (i32, i32) {
    %c0_i32 = arith.constant 0 : i32
    %c0_i32_0 = arith.constant 0 : i32
    return %arg0, %c0_i32 : i32, i32
  }
}

</mosaic_0001>

<sc_bundles>
// kernel: kernel.5.cloned.1.call-start
scs
__scs_entry_jumppad:
0x0: {  	(pc) =	sbr.rel $0x88, $3  }
0x1: {  	(tag) =	ssettag $0x0;
	lr =	simm.s32 $0x1  }
0x2: {  	[smem:$0x3F9D] =	sst lr;
	_ =	strace $0xD0000000  }
0x3: {  	_ = 	snop  }
0x4: {  	_ = 	snop  }
0x5: {  	_ = 	snop  }
0x6: {  	_ = 	snop  }
0x7: {  	_ = 	snop  }
__scs_overlays_trampoline_lowered:
0x8: {  	[smem:$0x3FAC] =	sst s0  }
0x9: {  	[smem:$0x3FAD] =	sst s1  }
0xa: {  	[smem:$0x3FAE] =	sst s2  }
0xb: {  	[smem:$0x3FAF] =	sst s3  }
0xc: {  	[smem:$0x3FB0] =	sst s4  }
0xd: {  	[smem:$0x3FB1] =	sst s5  }
0xe: {  	[smem:$0x3FB2] =	sst s6  }
0xf: {  	[smem:$0x3FB3] =	sst s7  }
0x10: {  	[smem:$0x3FB4] =	sst s8  }
0x11: {  	[smem:$0x3FB5] =	sst s9;
	s0 =	simm.s32 @!p0 $0x0  }
0x12: {  	s1 =	sld [smem:$0x3F9B];
	s0 =	simm.s32 @p0 $0x1  }
0x13: {  	[smem:$0x3FB6] =	sst s0;
	s0 =	simm.s32 @!p1 $0x0  }
0x14: {  	s2 =	sld [smem:$0x3F9A];
	s0 =	simm.s32 @p1 $0x1  }
0x15: {  	[smem:$0x3FB7] =	sst s0;
	s0 =	simm.s32 @!p2 $0x0  }
0x16: {  	s3 =	sld [smem:$0x3FDB];
	s0 =	simm.s32 @p2 $0x1  }
0x17: {  	s4 =	simm.s32 $0x1BF5;
	[smem:$0x3FB9] =	sst s0  }
0x18: {  	s0 =	sld [smem:$0x3F9C];
	_ =	swait.ge [sflag:s4], $0x0  }
0x19: {  	s7 =	sld [smem:$0x3F9D]  }
0x1a: {  	s8 =	sadd.s32 $0xFFFFE003, lr  }
0x1b: {  	s9 =	sadd.s32 $0xFFFFFEF7, lr;
	s5 =	simm.s32 $0xFFFFFFFF;
	p2 =	slt.u32 s8, $0xFFFFF086  }
0x1c: {  	p1 =	slt.u32 s9, $0xF7A;
	s5 =	simm.s32 @!p2 $0x0  }
0x1d: {  	s5 =	simm.s32 @p1 $0x1;
	p0 =	seq.s32 s7, s2  }
0x1e: {  	s7 =	smul.u32 @!p0 $0xF7A, s2;
	p2 =	seq.s32 @!p0 s5, $0x0  }
0x1f: {  	s9 =	smul.u32 $0xF7A, s1;
	s8 =	simm.s32 @!p0 $0x1BF5;
	p2 =	por !p2, p0  }
0x20: {  	[sflag:s8] =	ssyncset.s32 @!p0 $0xFFFFF086;
	s6 =	sadd.s32 @!p0 s3, s7;
	s7 =	simm.s32 @!p0 $0x108  }
0x21: {  	s3 =	sadd.s32 s3, s9;
	s6 =	sadd.s32 @!p0 $0x88, s6;
	s7 =	simm.s32 @p2 $0x1082  }
0x22: {  	[simem:s7], [sflag:s8] =	dma.local @!p0 [hbm:s6], $0xF7A  }
0x23: {  	s9 =	sor.u32 $0xD0000000, s2;
	s6 =	simm.s32 $0x108;
	_ =	swait.ge @!p0 [sflag:s8], $0x0  }
0x24: {  	s3 =	sadd.s32 $0x88, s3;
	s6 =	simm.s32 @!p1 $0x1082;
	[sflag:s4] =	ssyncset.s32 $0xFFFFF086  }
0x25: {  	[simem:s6], [sflag:s4] =	dma.local [hbm:s3], $0xF7A  }
0x26: {  	[smem:$0x3F9D] =	sst s1;
	(tag) =	ssettag s2;
	_ =	strace s9  }
0x27: {  	s1 =	sld [smem:$0x3FAD]  }
0x28: {  	s2 =	sld [smem:$0x3FAE]  }
0x29: {  	s4 =	sld [smem:$0x3FB0]  }
0x2a: {  	p0 =	seq.s32 s5, $0x0;
	s5 =	sld [smem:$0x3FB1]  }
0x2b: {  	s6 =	sld [smem:$0x3FB2]  }
0x2c: {  	s7 =	sld [smem:$0x3FB3]  }
0x2d: {  	s3 =	simm.s32 $0x108;
	s8 =	sld [smem:$0x3FB4]  }
0x2e: {  	s3 =	simm.s32 @!p0 $0x1082;
	s9 =	sld [smem:$0x3FB5]  }
0x2f: {  	lr =	sadd.s32 s0, s3;
	s0 =	sld [smem:$0x3FAC]  }
0x30: {  	s3 =	sld [smem:$0x3FAF]  }
0x31: {  	[smem:$0x3FB8] =	sst s10  }
0x32: {  	s10 =	sld [smem:$0x3FB6];
	_ =	sdelay $0x3  }
0x33: {  	p0 =	seq.s32 s10, $0x1;
	s10 =	sld [smem:$0x3FB8];
	_ =	sdelay $0x3  }
0x34: {  	[smem:$0x3FB8] =	sst s10  }
0x35: {  	s10 =	sld [smem:$0x3FB7];
	_ =	sdelay $0x3  }
0x36: {  	p1 =	seq.s32 s10, $0x1;
	s10 =	sld [smem:$0x3FB8];
	_ =	sdelay $0x3  }
0x37: {  	[smem:$0x3FB8] =	sst s10  }
0x38: {  	s10 =	sld [smem:$0x3FB9]  }
0x39: {  	_ = 	snop;
	(pc) =	sbr.ind lr, $3  }
0x3a: {  	_ = 	snop  }
0x3b: {  	_ = 	snop  }
0x3c: {  	p2 =	seq.s32 s10, $0x1;
	s10 =	sld [smem:$0x3FB8]  }
0x3d: {  	_ =	shalt  }
0x3e: {  	_ =	shalt  }
0x3f: {  	_ =	shalt  }
0x40: {  	_ =	shalt  }
0x41: {  	_ =	shalt  }
0x42: {  	_ =	shalt  }
0x43: {  	_ =	shalt  }
0x44: {  	_ =	shalt  }
0x45: {  	_ =	shalt  }
0x46: {  	_ =	shalt  }
0x47: {  	_ =	shalt  }
0x48: {  	_ =	shalt  }
0x49: {  	_ =	shalt  }
0x4a: {  	_ =	shalt  }
0x4b: {  	_ =	shalt  }
0x4c: {  	_ =	shalt  }
0x4d: {  	_ =	shalt  }
0x4e: {  	_ =	shalt  }
0x4f: {  	_ =	shalt  }
0x50: {  	_ =	shalt  }
0x51: {  	_ =	shalt  }
0x52: {  	_ =	shalt  }
0x53: {  	_ =	shalt  }
0x54: {  	_ =	shalt  }
0x55: {  	_ =	shalt  }
0x56: {  	_ =	shalt  }
0x57: {  	_ =	shalt  }
0x58: {  	_ =	shalt  }
0x59: {  	_ =	shalt  }
0x5a: {  	_ =	shalt  }
0x5b: {  	_ =	shalt  }
0x5c: {  	_ =	shalt  }
0x5d: {  	_ =	shalt  }
0x5e: {  	_ =	shalt  }
0x5f: {  	_ =	shalt  }
0x60: {  	_ =	shalt  }
0x61: {  	_ =	shalt  }
0x62: {  	_ =	shalt  }
0x63: {  	_ =	shalt  }
0x64: {  	_ =	shalt  }
0x65: {  	_ =	shalt  }
0x66: {  	_ =	shalt  }
0x67: {  	_ =	shalt  }
0x68: {  	_ =	shalt  }
0x69: {  	_ =	shalt  }
0x6a: {  	_ =	shalt  }
0x6b: {  	_ =	shalt  }
0x6c: {  	_ =	shalt  }
0x6d: {  	_ =	shalt  }
0x6e: {  	_ =	shalt  }
0x6f: {  	_ =	shalt  }
0x70: {  	_ =	shalt  }
0x71: {  	_ =	shalt  }
0x72: {  	_ =	shalt  }
0x73: {  	_ =	shalt  }
0x74: {  	_ =	shalt  }
0x75: {  	_ =	shalt  }
0x76: {  	_ =	shalt  }
0x77: {  	_ =	shalt  }
0x78: {  	_ =	shalt  }
0x79: {  	_ =	shalt  }
0x7a: {  	_ =	shalt  }
0x7b: {  	_ =	shalt  }
0x7c: {  	_ =	shalt  }
0x7d: {  	_ =	shalt  }
0x7e: {  	_ =	shalt  }
0x7f: {  	_ =	shalt  }
0x80: {  	_ =	shalt  }
0x81: {  	_ =	shalt  }
0x82: {  	_ =	shalt  }
0x83: {  	_ =	shalt  }
0x84: {  	_ =	shalt  }
0x85: {  	_ =	shalt  }
0x86: {  	_ =	shalt  }
0x87: {  	_ =	shalt  }
.Lfunc_end0:
.L_simem_size_0:
called_computation_lowered:
.L_overlay_start_0:
0x88: {  	s2 =	sld [smem:$0x3FD9]  }
0x89: {  	s3 =	sld [smem:$0x3FFE];
	_ =	sdelay $0x1  }
0x8a: {  	s1 =	srdreg.scid  }
0x8b: {  	s0 =	sand.u32 $0x1, s1  }
0x8c: {  	s16 =	sshll.u32 s0, $0xA;
	s2 =	sadd.s32 s3, s2  }
0x8d: {  	s2 =	sadd.s32 s2, s16  }
0x8e: {  	[smem:$0x3FC4] =	sst s2  }
0x8f: {  	_ = 	snop  }
0x90: {  	(tm) =	ssettm $0x1  }
0x91: {  	s17 =	sld [smem:$0x3FFB];
	_ =	sdelay $0x3  }
0x92: {  	_ =	strace s17  }
0x93: {  	s2 =	sld [smem:$0x3FFC];
	_ =	sdelay $0x3  }
0x94: {  	_ =	strace s2  }
0x95: {  	s2 =	sld [smem:$0x3FFD];
	_ =	sdelay $0x3  }
0x96: {  	_ =	strace s2  }
0x97: {  	_ =	strace $0x8FFFFFFF  }
0x98: {  	s18 =	sld [smem:$0x3FDB];
	_ =	sdelay $0x1  }
0x99: {  	s19 =	simm.s32 $_scs_section_size  }
0x9a: {  	s4 =	simm.s32 $_size__tile_overlayer_lowered;
	s5 =	simm.s32 $_tile_overlayer_lowered  }
0x9b: {  	s22 =	simm.s32 $0x1BFF;
	s21 =	sshll.u32 s5, $0x1;
	s2 =	sadd.s32 s19, s18  }
0x9c: {  	s6 =	simm.s32 $0x0;
	s20 =	sshll.u32 s4, $0x1;
	s4 =	sadd.s32 s21, s2  }
0x9d: {  	[timem:s6], [sflag:s22] =	dma.local [hbm:s4], s20  }
0x9e: {  	_ =	swait.ge [sflag:s22], s20  }
0x9f: {  	s3 =	ssub.s32 $0x0, s20;
	[sflag:s22] =	ssyncset.done $0x0  }
0xa0: {  	[sflag:s22] =	ssyncadd.s32 s3;
	_ =	sdelay $0x1  }
0xa1: {  	s23 =	simm.s32 $0x1B8B  }
0xa2: {  	_ =	swait.ge [sflag:s23], $0x1  }
0xa3: {  	[sflag:s23] =	ssyncset.done $0x0  }
0xa4: {  	s25 =	simm.s32 $0x1B8E;
	s24 =	sld [smem:$0x3FFE];
	[sflag:s23] =	ssyncadd.s32 $0xFFFFFFFF  }
0xa5: {  	s26 =	simm.s32 $execute0_lowered;
	[smem:$0x3FD2] =	sst s25  }
0xa6: {  	s4 =	sshll.u32 s26, $0x1;
	_ =	strace $0x80000046;
	[dreg:$0x1] =	wrdreg $0xFFFFFFFF  }
0xa7: {  	s28 =	simm.s32 $_size_execute0_lowered;
	s2 =	sadd.s32 s2, s4;
	[dreg:$0x0] =	wrdreg $0x0  }
0xa8: {  	s4 =	sshll.u32 s28, $0x1;
	[dreg:$0x2] =	wrdreg s2  }
0xa9: {  	[dreg:$0x3] =	wrdreg s4  }
0xaa: {  	[dreg:$0x4] =	wrdreg $0xC0  }
0xab: {  	_ =	task [dreg:s6], $0x5FFFF  }
0xac: {  	[dreg:$0x1] =	wrdreg $0xFFFFFFFF  }
0xad: {  	[dreg:$0x0] =	wrdreg $0x60  }
0xae: {  	[dreg:$0x2] =	wrdreg s24  }
0xaf: {  	[dreg:$0x3] =	wrdreg $0x64000  }
0xb0: {  	[dreg:$0x4] =	wrdreg $0x9  }
0xb1: {  	_ =	task.clear_ibuf [dreg:s6], $0x5FFFF;
	_ =	strace $0x90000046  }
0xb2: {  	s29 =	simm.s32 $0x9;
	_ =	strace $0x80000048  }
0xb3: {  	_ =	swait.ge [sflag:s29], $0x1  }
0xb4: {  	[sflag:s29] =	ssyncadd.s32 $0xFFFFFFFF  }
0xb5: {  	_ =	strace $0x90000048  }
0xb6: {  	_ =	sfence  }
0xb7: {  	s30 =	sld [smem:$0x0];
	_ =	sdelay $0x2  }
0xb8: {  	s31 =	sshll.u32 s1, $0xD;
	s1 =	sshrl.u32 s1, $0x2  }
0xb9: {  	s3 =	sand.u32 $0x4000, s31;
	s1 =	sadd.s32 s1, s30  }
0xba: {  	s0 =	sor.u32 s3, s0;
	s1 =	sshll.u32 s1, $0x11  }
0xbb: {  	s0 =	sor.u32 s1, s0  }
0xbc: {  	s0 =	sadd.s32 $0x8F2B, s0  }
0xbd: {  	[sflag:s0] =	ssyncadd.remote.s32 $0x1  }
0xbe: {  	_ =	sfence.sel $0xFFFF  }
0xbf: {  	[dreg:$0x0] =	wrdreg $0xFFFFFFFF;
	(pc) =	sbr.abs _section_cstart, $3  }
0xc0: {  	[dreg:$0x1] =	wrdreg $0xFFFFFFFF  }
0xc1: {  	_ =	task.clear_ibuf [dreg:s6], $0x2FFFF;
	_ =	strace $0x9FFFFFFF  }
0xc2: {  	(tm) =	ssettm $0x7FFFFFFF  }
0xc3: {  	_ =	shalt  }
tec
execute0_lowered:
.L_overlay_start_1:
0x0: {  	(tag) =	ssettag $0x1  }
0x1: {  	s1 =	srdreg.scid;
	s4 =	rddreg [dreg:$0x0]  }
0x2: {  	s0 =	stileid.u32;
	s2 =	rddreg [dreg:$0x1];
	s3 =	simm.s32 $0x0  }
0x3: {  	s13 =	simm.s32 $0x15CD0;
	s14 =	simm.s32 $0x190;
	s15 =	simm.s32 $0x15DA0  }
0x4: {  	s16 =	simm.s32 $0x258;
	s17 =	simm.s32 $0x15E70;
	s18 =	simm.s32 $0x1  }
0x5: {  	s19 =	simm.s32 $0x2;
	s20 =	simm.s32 $0x3;
	s21 =	simm.s32 $0x4  }
0x6: {  	s22 =	simm.s32 $0x15F40;
	s5 =	sand.u32 $0x1, s1;
	s1 =	rddreg [dreg:$0x2]  }
0x7: {  	s23 =	simm.s32 $0x0;
	s30 =	sshll.u32 s0, $0x1;
	[smem:$0x7FF] =	sst s3  }
0x8: {  	s8 =	smul.u32 $0xF800, s0;
	s31 =	sshll.u32 s0, $0x6;
	s6 =	sor.u32 s5, s30  }
0x9: {  	_ =	strace $0x80000047;
	s5 =	ssub.s32 $0x2, s5;
	s7 =	smul.u32 $0xC80, s6  }
0xa: {  	s9 =	sshrl.u32 s8, $0x3;
	s6 =	sshll.u32 s6, $0x9;
	s10 =	sshrl.u32 s5, $0x1  }
.Ltmp0:
0xb: {  	s12 =	sadd.s32 s8, s2;
	s9 =	sadd.s32 s9, s4;
	(pc) =	sbr.rel .LBB2_1-.Ltmp0, $4  }
0xc: {  	s11 =	sadd.s32 s6, s4;
	s10 =	ssub.s32 s5, s10;
	s5 =	sor.u32 $0x1C05, s31  }
0xd: {  	s7 =	sadd.s32 s7, s4;
	s4 =	sadd.s32 $0xA00, s9;
	s8 =	smax.u32 s10, $0x1  }
0xe: {  	s9 =	sshrl.u32 s12, $0x3;
	s10 =	simm.s32 $0x5;
	s12 =	simm.s32 $0x15C00  }
0xf: {  	v0 =	vimm.f32 $0.0e+00;
	s6 =	sadd.s32 $0x1FA00, s7;
	s7 =	sadd.s32 $0x38A00, s11;
	s11 =	simm.s32 $0xC8  }
.LBB2_4:
0x10: {  	s23 =	sadd.s32 $0x1, s23  }
0x11: {  	p0 =	sne.s32 s23, s8  }
.Ltmp1:
0x12: {  	_ = 	snop;
	(pc) =	sbr.rel @!p0 .LBB2_5-.Ltmp1, $4  }
0x13: {  	[hbm4b:s7+s3] =	stream.linear.scatter [tilespmem:s22], [sflag:$0x5], $0x1000, $0x38;
	[tilespmem:$0x16F40] =	vst v63  }
0x14: {  	_ =	swait.ge [sflag:s10], $0x1000  }
0x15: {  	[sflag:s10] =	ssyncset.done $0x0  }
0x16: {  	[sflag:s10] =	ssyncadd.s32 $0xFFFFF000  }
.LBB2_1:
0x17: {  	[spmem:s9], [sflag:s5] =	dma.local [hbm:s4], $0x1F00  }
0x18: {  	_ =	swait.ge [sflag:s10], $0x1F00  }
0x19: {  	[sflag:s10] =	ssyncset.done $0x0  }
0x1a: {  	[sflag:s10] =	ssyncadd.s32 $0xFFFFE100  }
0x1b: {  	[tilespmem:s3], [sflag:$0x5] =	stream.linear.gather [hbm4b:s6+s3], $0x6400, $0x38;
	[tilespmem:$0x16F40] =	vst v63  }
0x1c: {  	_ =	swait.ge [sflag:s10], $0x6400  }
0x1d: {  	[sflag:s10] =	ssyncset.done $0x0  }
0x1e: {  	[sflag:s10] =	ssyncadd.s32 $0xFFFF9C00  }
0x1f: {  	[tilespmem:$0x15CC0] =	vst v0  }
0x20: {  	[tilespmem:$0x15D90] =	vst v0  }
0x21: {  	[tilespmem:$0x15E60] =	vst v0  }
0x22: {  	[tilespmem:$0x15F30] =	vst v0  }
0x23: {  	[bflag:$0x0] =	sbarrier.arrive $0xFFFF  }
0x24: {  	[tilespmem:s12], [sflag:$0x1] =	stream.indirect.gather [spmem:s2], $0x1, s3, s11, $0xb8;
	[tilespmem:$0x16F40] =	vst v63  }
0x25: {  	_ = 	snop  }
0x26: {  	[tilespmem:s13], [sflag:$0x2] =	stream.indirect.gather [spmem:s2], $0x1, s11, s11, $0xb8;
	[tilespmem:$0x16F40] =	vst v63  }
0x27: {  	_ = 	snop  }
0x28: {  	[tilespmem:s15], [sflag:$0x3] =	stream.indirect.gather [spmem:s2], $0x1, s14, s11, $0xb8;
	[tilespmem:$0x16F40] =	vst v63  }
0x29: {  	s24 =	simm.s32 $0xFFFE7C80;
	s25 =	simm.s32 $0x15F80  }
0x2a: {  	[tilespmem:s17], [sflag:$0x4] =	stream.indirect.gather [spmem:s2], $0x1, s16, s11, $0xb8;
	[tilespmem:$0x16F40] =	vst v63  }
.LBB2_2:
0x2b: {  	_ =	swait.ge [sflag:s18], $0xC8  }
0x2c: {  	[sflag:s18] =	ssyncset.done $0x0  }
0x2d: {  	[sflag:s18] =	ssyncadd.s32 $0xFFFFFF38  }
0x2e: {  	v1 =	vld [tilespmem:$0x15C00];
	_ =	sdelay $0x1  }
0x2f: {  	v2 =	vld [tilespmem:$0x15C10];
	_ =	sdelay $0x1  }
0x30: {  	v3 =	vld [tilespmem:$0x15C20]  }
0x31: {  	v4 =	vunpack.i.l.bf16.f32 v1  }
0x32: {  	v5 =	vld [tilespmem:$0x15C30];
	v1 =	vunpack.i.u.bf16.f32 v1;
	v4 =	vadd.f32 $0.0e+00, v4  }
0x33: {  	v6 =	vunpack.i.l.bf16.f32 v2;
	v1 =	vadd.f32 $0.0e+00, v1  }
0x34: {  	v52 =	vld [tilespmem:$0x15C40];
	v2 =	vunpack.i.u.bf16.f32 v2;
	v4 =	vadd.f32 v6, v4  }
0x35: {  	v1 =	vadd.f32 v2, v1;
	v2 =	vunpack.i.l.bf16.f32 v3  }
0x36: {  	v53 =	vld [tilespmem:$0x15C50];
	v3 =	vunpack.i.u.bf16.f32 v3;
	v2 =	vadd.f32 v2, v4  }
0x37: {  	v1 =	vadd.f32 v3, v1;
	v3 =	vunpack.i.l.bf16.f32 v5  }
0x38: {  	v5 =	vunpack.i.u.bf16.f32 v5;
	v2 =	vadd.f32 v3, v2;
	v3 =	vld [tilespmem:$0x15C60]  }
0x39: {  	v54 =	vunpack.i.l.bf16.f32 v52;
	v1 =	vadd.f32 v5, v1  }
0x3a: {  	v55 =	vld [tilespmem:$0x15C70];
	v6 =	vunpack.i.u.bf16.f32 v52;
	v2 =	vadd.f32 v54, v2  }
0x3b: {  	v56 =	vunpack.i.l.bf16.f32 v53;
	v1 =	vadd.f32 v6, v1  }
0x3c: {  	v57 =	vld [tilespmem:$0x15C80];
	v4 =	vunpack.i.u.bf16.f32 v53;
	v2 =	vadd.f32 v56, v2  }
0x3d: {  	v1 =	vadd.f32 v4, v1;
	v58 =	vunpack.i.l.bf16.f32 v3  }
0x3e: {  	v59 =	vld [tilespmem:$0x15C90];
	v3 =	vunpack.i.u.bf16.f32 v3;
	v2 =	vadd.f32 v58, v2  }
0x3f: {  	v1 =	vadd.f32 v3, v1;
	v3 =	vunpack.i.l.bf16.f32 v55  }
0x40: {  	v5 =	vunpack.i.u.bf16.f32 v55;
	v2 =	vadd.f32 v3, v2;
	v3 =	vld [tilespmem:$0x15CA0]  }
0x41: {  	v60 =	vunpack.i.l.bf16.f32 v57;
	v1 =	vadd.f32 v5, v1  }
0x42: {  	v61 =	vld [tilespmem:$0x15CB0];
	v6 =	vunpack.i.u.bf16.f32 v57;
	v2 =	vadd.f32 v60, v2  }
0x43: {  	v62 =	vunpack.i.l.bf16.f32 v59;
	v1 =	vadd.f32 v6, v1  }
0x44: {  	v63 =	vld [tilespmem:$0x15CC0];
	v4 =	vunpack.i.u.bf16.f32 v59;
	v2 =	vadd.f32 v62, v2  }
0x45: {  	v1 =	vadd.f32 v4, v1;
	v8 =	vunpack.i.l.bf16.f32 v3  }
0x46: {  	v3 =	vunpack.i.u.bf16.f32 v3;
	v2 =	vadd.f32 v8, v2  }
0x47: {  	v1 =	vadd.f32 v3, v1;
	v3 =	vunpack.i.l.bf16.f32 v61  }
0x48: {  	v9 =	vunpack.i.u.bf16.f32 v61;
	v2 =	vadd.f32 v3, v2  }
0x49: {  	v1 =	vadd.f32 v9, v1;
	v3 =	vunpack.i.l.bf16.f32 v63  }
0x4a: {  	v10 =	vunpack.i.u.bf16.f32 v63;
	v2 =	vadd.f32 v3, v2  }
0x4b: {  	p0 =	seq.s32 s24, $0x0;
	v1 =	vadd.f32 v10, v1  }
0x4c: {  	s26 =	sshra.s32 @!p0 s24, $0x2;
	[tilespmem:s25+$0xFFFFFFC0] =	vst v2  }
0x4d: {  	s28 =	simm.s32 @!p0 $0xC8;
	s30 =	simm.s32 @!p0 $0x15C00;
	s29 =	sadd.s32 @!p0 $0x6400, s26;
	[tilespmem:s25+$0xFFFFFFD0] =	vst v1  }
0x4e: {  	[tilespmem:s30], [sflag:$0x1] =	stream.indirect.gather @!p0 [spmem:s2], $0x1, s29, s28, $0xb8;
	[tilespmem:$0x16F40] =	vst v63  }
0x4f: {  	_ =	swait.ge [sflag:s19], $0xC8  }
0x50: {  	[sflag:s19] =	ssyncset.done $0x0  }
0x51: {  	[sflag:s19] =	ssyncadd.s32 $0xFFFFFF38  }
0x52: {  	v1 =	vld [tilespmem:$0x15CD0];
	_ =	sdelay $0x1  }
0x53: {  	v2 =	vld [tilespmem:$0x15CE0];
	_ =	sdelay $0x1  }
0x54: {  	v3 =	vld [tilespmem:$0x15CF0]  }
0x55: {  	v11 =	vunpack.i.l.bf16.f32 v1  }
0x56: {  	v12 =	vld [tilespmem:$0x15D00];
	v1 =	vunpack.i.u.bf16.f32 v1;
	v4 =	vadd.f32 $0.0e+00, v11  }
0x57: {  	v13 =	vunpack.i.l.bf16.f32 v2;
	v1 =	vadd.f32 $0.0e+00, v1  }
0x58: {  	v14 =	vld [tilespmem:$0x15D10];
	v2 =	vunpack.i.u.bf16.f32 v2;
	v4 =	vadd.f32 v13, v4  }
0x59: {  	v1 =	vadd.f32 v2, v1;
	v2 =	vunpack.i.l.bf16.f32 v3  }
0x5a: {  	v15 =	vld [tilespmem:$0x15D20];
	v3 =	vunpack.i.u.bf16.f32 v3;
	v2 =	vadd.f32 v2, v4  }
0x5b: {  	v1 =	vadd.f32 v3, v1;
	v3 =	vunpack.i.l.bf16.f32 v12  }
0x5c: {  	v5 =	vunpack.i.u.bf16.f32 v12;
	v2 =	vadd.f32 v3, v2;
	v3 =	vld [tilespmem:$0x15D30]  }
0x5d: {  	v16 =	vunpack.i.l.bf16.f32 v14;
	v1 =	vadd.f32 v5, v1  }
0x5e: {  	v17 =	vld [tilespmem:$0x15D40];
	v6 =	vunpack.i.u.bf16.f32 v14;
	v2 =	vadd.f32 v16, v2  }
0x5f: {  	v18 =	vunpack.i.l.bf16.f32 v15;
	v1 =	vadd.f32 v6, v1  }
0x60: {  	v19 =	vld [tilespmem:$0x15D50];
	v4 =	vunpack.i.u.bf16.f32 v15;
	v2 =	vadd.f32 v18, v2  }
0x61: {  	v1 =	vadd.f32 v4, v1;
	v20 =	vunpack.i.l.bf16.f32 v3  }
0x62: {  	v21 =	vld [tilespmem:$0x15D60];
	v3 =	vunpack.i.u.bf16.f32 v3;
	v2 =	vadd.f32 v20, v2  }
0x63: {  	v1 =	vadd.f32 v3, v1;
	v3 =	vunpack.i.l.bf16.f32 v17  }
0x64: {  	v5 =	vunpack.i.u.bf16.f32 v17;
	v2 =	vadd.f32 v3, v2;
	v3 =	vld [tilespmem:$0x15D70]  }
0x65: {  	v22 =	vunpack.i.l.bf16.f32 v19;
	v1 =	vadd.f32 v5, v1  }
0x66: {  	v23 =	vld [tilespmem:$0x15D80];
	v6 =	vunpack.i.u.bf16.f32 v19;
	v2 =	vadd.f32 v22, v2  }
0x67: {  	v24 =	vunpack.i.l.bf16.f32 v21;
	v1 =	vadd.f32 v6, v1  }
0x68: {  	v25 =	vld [tilespmem:$0x15D90];
	v4 =	vunpack.i.u.bf16.f32 v21;
	v2 =	vadd.f32 v24, v2  }
0x69: {  	v1 =	vadd.f32 v4, v1;
	v26 =	vunpack.i.l.bf16.f32 v3  }
0x6a: {  	v3 =	vunpack.i.u.bf16.f32 v3;
	v2 =	vadd.f32 v26, v2  }
0x6b: {  	v1 =	vadd.f32 v3, v1;
	v3 =	vunpack.i.l.bf16.f32 v23  }
0x6c: {  	v27 =	vunpack.i.u.bf16.f32 v23;
	v2 =	vadd.f32 v3, v2  }
0x6d: {  	v1 =	vadd.f32 v27, v1;
	v3 =	vunpack.i.l.bf16.f32 v25  }
0x6e: {  	v28 =	vunpack.i.u.bf16.f32 v25;
	v2 =	vadd.f32 v3, v2  }
0x6f: {  	v1 =	vadd.f32 v28, v1  }
0x70: {  	[tilespmem:s25+$0xFFFFFFE0] =	vst v2  }
0x71: {  	s29 =	sadd.s32 @!p0 $0x64C8, s26;
	s30 =	simm.s32 @!p0 $0x15CD0;
	[tilespmem:s25+$0xFFFFFFF0] =	vst v1  }
0x72: {  	[tilespmem:s30], [sflag:$0x2] =	stream.indirect.gather @!p0 [spmem:s2], $0x1, s29, s28, $0xb8;
	[tilespmem:$0x16F40] =	vst v63  }
0x73: {  	_ =	swait.ge [sflag:s20], $0xC8  }
0x74: {  	[sflag:s20] =	ssyncset.done $0x0  }
0x75: {  	[sflag:s20] =	ssyncadd.s32 $0xFFFFFF38  }
0x76: {  	v1 =	vld [tilespmem:$0x15DA0];
	_ =	sdelay $0x1  }
0x77: {  	v2 =	vld [tilespmem:$0x15DB0];
	_ =	sdelay $0x1  }
0x78: {  	v3 =	vld [tilespmem:$0x15DC0]  }
0x79: {  	v29 =	vunpack.i.l.bf16.f32 v1  }
0x7a: {  	v30 =	vld [tilespmem:$0x15DD0];
	v1 =	vunpack.i.u.bf16.f32 v1;
	v4 =	vadd.f32 $0.0e+00, v29  }
0x7b: {  	v31 =	vunpack.i.l.bf16.f32 v2;
	v1 =	vadd.f32 $0.0e+00, v1  }
0x7c: {  	v32 =	vld [tilespmem:$0x15DE0];
	v2 =	vunpack.i.u.bf16.f32 v2;
	v4 =	vadd.f32 v31, v4  }
0x7d: {  	v1 =	vadd.f32 v2, v1;
	v2 =	vunpack.i.l.bf16.f32 v3  }
0x7e: {  	v33 =	vld [tilespmem:$0x15DF0];
	v3 =	vunpack.i.u.bf16.f32 v3;
	v2 =	vadd.f32 v2, v4  }
0x7f: {  	v1 =	vadd.f32 v3, v1;
	v3 =	vunpack.i.l.bf16.f32 v30  }
0x80: {  	v5 =	vunpack.i.u.bf16.f32 v30;
	v2 =	vadd.f32 v3, v2;
	v3 =	vld [tilespmem:$0x15E00]  }
0x81: {  	v34 =	vunpack.i.l.bf16.f32 v32;
	v1 =	vadd.f32 v5, v1  }
0x82: {  	v35 =	vld [tilespmem:$0x15E10];
	v6 =	vunpack.i.u.bf16.f32 v32;
	v2 =	vadd.f32 v34, v2  }
0x83: {  	v36 =	vunpack.i.l.bf16.f32 v33;
	v1 =	vadd.f32 v6, v1  }
0x84: {  	v37 =	vld [tilespmem:$0x15E20];
	v4 =	vunpack.i.u.bf16.f32 v33;
	v2 =	vadd.f32 v36, v2  }
0x85: {  	v1 =	vadd.f32 v4, v1;
	v38 =	vunpack.i.l.bf16.f32 v3  }
0x86: {  	v39 =	vld [tilespmem:$0x15E30];
	v3 =	vunpack.i.u.bf16.f32 v3;
	v2 =	vadd.f32 v38, v2  }
0x87: {  	v1 =	vadd.f32 v3, v1;
	v3 =	vunpack.i.l.bf16.f32 v35  }
0x88: {  	v5 =	vunpack.i.u.bf16.f32 v35;
	v2 =	vadd.f32 v3, v2;
	v3 =	vld [tilespmem:$0x15E40]  }
0x89: {  	v40 =	vunpack.i.l.bf16.f32 v37;
	v1 =	vadd.f32 v5, v1  }
0x8a: {  	v41 =	vld [tilespmem:$0x15E50];
	v6 =	vunpack.i.u.bf16.f32 v37;
	v2 =	vadd.f32 v40, v2  }
0x8b: {  	v42 =	vunpack.i.l.bf16.f32 v39;
	v1 =	vadd.f32 v6, v1  }
0x8c: {  	v43 =	vld [tilespmem:$0x15E60];
	v4 =	vunpack.i.u.bf16.f32 v39;
	v2 =	vadd.f32 v42, v2  }
0x8d: {  	v1 =	vadd.f32 v4, v1;
	v44 =	vunpack.i.l.bf16.f32 v3  }
0x8e: {  	v3 =	vunpack.i.u.bf16.f32 v3;
	v2 =	vadd.f32 v44, v2  }
0x8f: {  	v1 =	vadd.f32 v3, v1;
	v3 =	vunpack.i.l.bf16.f32 v41  }
0x90: {  	v45 =	vunpack.i.u.bf16.f32 v41;
	v2 =	vadd.f32 v3, v2  }
0x91: {  	v1 =	vadd.f32 v45, v1;
	v3 =	vunpack.i.l.bf16.f32 v43  }
0x92: {  	v46 =	vunpack.i.u.bf16.f32 v43;
	v2 =	vadd.f32 v3, v2  }
0x93: {  	v1 =	vadd.f32 v46, v1  }
0x94: {  	[tilespmem:s25+$0x0] =	vst v2  }
0x95: {  	s26 =	sadd.s32 @!p0 $0x6590, s26;
	s29 =	simm.s32 @!p0 $0x15DA0;
	[tilespmem:s25+$0x10] =	vst v1  }
0x96: {  	[tilespmem:s29], [sflag:$0x3] =	stream.indirect.gather @!p0 [spmem:s2], $0x1, s26, s28, $0xb8;
	[tilespmem:$0x16F40] =	vst v63  }
0x97: {  	_ =	swait.ge [sflag:s21], $0xC8  }
0x98: {  	[sflag:s21] =	ssyncset.done $0x0  }
0x99: {  	[sflag:s21] =	ssyncadd.s32 $0xFFFFFF38  }
0x9a: {  	v1 =	vld [tilespmem:$0x15E70];
	_ =	sdelay $0x1  }
0x9b: {  	v2 =	vld [tilespmem:$0x15E80];
	_ =	sdelay $0x1  }
0x9c: {  	v3 =	vld [tilespmem:$0x15E90]  }
0x9d: {  	v47 =	vunpack.i.l.bf16.f32 v1  }
0x9e: {  	v48 =	vld [tilespmem:$0x15EA0];
	v1 =	vunpack.i.u.bf16.f32 v1;
	v4 =	vadd.f32 $0.0e+00, v47  }
0x9f: {  	v49 =	vunpack.i.l.bf16.f32 v2;
	v1 =	vadd.f32 $0.0e+00, v1  }
0xa0: {  	v50 =	vld [tilespmem:$0x15EB0];
	v2 =	vunpack.i.u.bf16.f32 v2;
	v4 =	vadd.f32 v49, v4  }
0xa1: {  	v1 =	vadd.f32 v2, v1;
	v2 =	vunpack.i.l.bf16.f32 v3  }
0xa2: {  	v51 =	vld [tilespmem:$0x15EC0];
	v3 =	vunpack.i.u.bf16.f32 v3;
	v2 =	vadd.f32 v2, v4  }
0xa3: {  	v1 =	vadd.f32 v3, v1;
	v3 =	vunpack.i.l.bf16.f32 v48  }
0xa4: {  	v5 =	vunpack.i.u.bf16.f32 v48;
	v2 =	vadd.f32 v3, v2;
	v3 =	vld [tilespmem:$0x15ED0]  }
0xa5: {  	v52 =	vunpack.i.l.bf16.f32 v50;
	v1 =	vadd.f32 v5, v1  }
0xa6: {  	v53 =	vld [tilespmem:$0x15EE0];
	v6 =	vunpack.i.u.bf16.f32 v50;
	v2 =	vadd.f32 v52, v2  }
0xa7: {  	v54 =	vunpack.i.l.bf16.f32 v51;
	v1 =	vadd.f32 v6, v1  }
0xa8: {  	v55 =	vld [tilespmem:$0x15EF0];
	v4 =	vunpack.i.u.bf16.f32 v51;
	v2 =	vadd.f32 v54, v2  }
0xa9: {  	v1 =	vadd.f32 v4, v1;
	v56 =	vunpack.i.l.bf16.f32 v3  }
0xaa: {  	v57 =	vld [tilespmem:$0x15F00];
	v3 =	vunpack.i.u.bf16.f32 v3;
	v2 =	vadd.f32 v56, v2  }
0xab: {  	v1 =	vadd.f32 v3, v1;
	v3 =	vunpack.i.l.bf16.f32 v53  }
0xac: {  	v5 =	vunpack.i.u.bf16.f32 v53;
	v2 =	vadd.f32 v3, v2;
	v3 =	vld [tilespmem:$0x15F10]  }
0xad: {  	v58 =	vunpack.i.l.bf16.f32 v55;
	v1 =	vadd.f32 v5, v1  }
0xae: {  	v59 =	vld [tilespmem:$0x15F20];
	v6 =	vunpack.i.u.bf16.f32 v55;
	v2 =	vadd.f32 v58, v2  }
0xaf: {  	v60 =	vunpack.i.l.bf16.f32 v57;
	v1 =	vadd.f32 v6, v1  }
0xb0: {  	v61 =	vld [tilespmem:$0x15F30];
	v4 =	vunpack.i.u.bf16.f32 v57;
	v2 =	vadd.f32 v60, v2  }
0xb1: {  	v1 =	vadd.f32 v4, v1;
	v62 =	vunpack.i.l.bf16.f32 v3  }
0xb2: {  	v3 =	vunpack.i.u.bf16.f32 v3;
	v2 =	vadd.f32 v62, v2  }
0xb3: {  	v1 =	vadd.f32 v3, v1;
	v3 =	vunpack.i.l.bf16.f32 v59  }
0xb4: {  	v2 =	vadd.f32 v3, v2;
	v3 =	vunpack.i.u.bf16.f32 v59  }
.Ltmp2:
0xb5: {  	v1 =	vadd.f32 v3, v1;
	v3 =	vunpack.i.l.bf16.f32 v61;
	(pc) =	sbr.rel @p0 .LBB2_4-.Ltmp2, $4  }
0xb6: {  	v63 =	vunpack.i.u.bf16.f32 v61;
	v2 =	vadd.f32 v3, v2  }
0xb7: {  	v1 =	vadd.f32 v63, v1  }
0xb8: {  	[tilespmem:s25+$0x20] =	vst v2  }
0xb9: {  	[tilespmem:s25+$0x30] =	vst v1  }
.Ltmp3:
0xba: {  	(pc) =	sbr.rel .LBB2_2-.Ltmp3, $4  }
0xbb: {  	_ = 	snop  }
0xbc: {  	s26 =	sshra.s32 s24, $0x2  }
0xbd: {  	s24 =	sadd.s32 $0xC80, s24;
	s25 =	sadd.s32 $0x80, s25;
	s26 =	sadd.s32 $0x6658, s26  }
0xbe: {  	[tilespmem:s17], [sflag:$0x4] =	stream.indirect.gather [spmem:s2], $0x1, s26, s11, $0xb8;
	[tilespmem:$0x16F40] =	vst v63  }
.LBB2_5:
0xbf: {  	_ =	sfence.sel $0x180000  }
0xc0: {  	[bflag:$0x0] =	sbarrier.arrive $0xFFFF  }
0xc1: {  	p0 =	sne.s32 s0, $0x0;
	_ =	strace $0x90000047  }
0xc2: {  	s0 =	sadd.s32 @!p0 $0x100000, s1;
	[bflag:$0x2] =	sbarrier.arrive $0xFFFF  }
0xc3: {  	[sflag:s0] =	ssyncadd.tile.s32 @!p0 $0x1;
	_ =	shalt  }
.Lfunc_end2:
_tile_overlayer_lowered:
.L_overlay_start_2:
0xc4: {  	(tag) =	ssettag $0x2  }
0xc5: {  	s0 =	rddreg [dreg:$0x0];
	s2 =	stileid.u32  }
0xc6: {  	s1 =	rddreg [dreg:$0x1];
	p0 =	sne.s32 s2, $0x0  }
0xc7: {  	s3 =	rddreg [dreg:$0x2];
	[bflag:$0x3] =	sbarrier.arrive $0xFFFF;
	s2 =	simm.s32 @!p0 $0x1C05  }
0xc8: {  	[timem:s3], [sflag:s2] =	dma.local @!p0 [hbm:s0], s1  }
0xc9: {  	s0 =	simm.s32 @!p0 $0x5  }
0xca: {  	_ =	swait.ge @!p0 [sflag:s0], s1  }
0xcb: {  	s1 =	ssub.s32 @!p0 $0x0, s1;
	[sflag:s0] =	ssyncset.done @!p0 $0x0  }
0xcc: {  	[sflag:s0] =	ssyncadd.s32 @!p0 s1  }
0xcd: {  	[bflag:$0x3] =	sbarrier.arrive $0xFFFF  }
0xce: {  	_ =	shalt  }

</sc_bundles>
